<compile_context>
chip_gen: v7x
topology: tpu7x:2x2x1
jax: 0.10.2.dev20260603
libtpu: 0.0.44.dev20260713+nightly
codegen_flags: <defaults>
</compile_context>

<pallas_src>
import functools

import jax
import jax.numpy as jnp
from jax import lax
from jax.experimental import pallas as pl
from jax.experimental.pallas import tpu as pltpu
from jax.experimental.pallas import tpu_sc as plsc

_VOCAB = 32002
_HIDDEN = 2048
_BATCH = 4
_SEQ = 4096
_NTOK = _BATCH * _SEQ
_NW = 32
_PER_W = _NTOK // _NW
_CHUNK = 8
_NCHUNK = _PER_W // _CHUNK
_NBUF = 3

_mesh = plsc.VectorSubcoreMesh(core_axis_name="c", subcore_axis_name="s")


@functools.partial(
    pl.kernel,
    out_type=jax.ShapeDtypeStruct((_NTOK, _HIDDEN), jnp.float32),
    mesh=_mesh,
    scratch_types=(
        [pltpu.VMEM((_NCHUNK, _CHUNK), jnp.int32)]
        + [pltpu.VMEM((_CHUNK, _HIDDEN), jnp.float32)] * _NBUF
        + [pltpu.VMEM_SHARED((16, _NBUF, _CHUNK, _HIDDEN), jnp.float32)]
        + [pltpu.SemaphoreType.DMA] * (3 * _NBUF)
    ),
)
def _embed_lookup(table_hbm, idx_hbm, out_hbm, idx_v, *scratch):
    sid = lax.axis_index("s")
    wid = sid * 2 + lax.axis_index("c")
    base = wid * _PER_W
    pltpu.sync_copy(idx_hbm.at[wid], idx_v)

    bufs = scratch[:_NBUF]
    shared = scratch[_NBUF]
    gsems = scratch[_NBUF + 1:2 * _NBUF + 1]
    xsems = scratch[2 * _NBUF + 1:3 * _NBUF + 1]
    osems = scratch[3 * _NBUF + 1:]

    def gather_start(j, b):
        pltpu.async_copy(table_hbm.at[idx_v.at[j]], bufs[b], gsems[b])

    def gather_wait(b):
        pltpu.make_async_copy(
            table_hbm.at[idx_v.at[0]], bufs[b], gsems[b]).wait()

    def stage(b):
        pltpu.async_copy(bufs[b], shared.at[sid, b], xsems[b]).wait()

    def out_start(j, b):
        pltpu.async_copy(
            shared.at[sid, b],
            out_hbm.at[pl.ds(base + j * _CHUNK, _CHUNK)], osems[b])

    def out_wait(b):
        pltpu.make_async_copy(
            shared.at[sid, b],
            out_hbm.at[pl.ds(base, _CHUNK)], osems[b]).wait()

    def slot_body(j, b, first=False, last=False):
        if not first:
            out_wait(b)
        gather_wait(b)
        stage(b)
        out_start(j, b)
        if not last:
            gather_start(j + _NBUF, b)

    for b in range(_NBUF):
        gather_start(b, b)
    for b in range(_NBUF):
        slot_body(b, b, first=True)

    def step(k, carry):
        for p in range(_NBUF):
            slot_body(_NBUF * k + p, p)
        return carry

    _KMAX = (_NCHUNK - _NBUF) // _NBUF - 1
    lax.fori_loop(1, _KMAX + 1, step, 0)

    _TAIL_START = _NBUF * (_KMAX + 1)
    slot_body(_TAIL_START, _TAIL_START % _NBUF)
    for j in range(_TAIL_START + 1, _NCHUNK):
        slot_body(j, j % _NBUF, last=True)
    for j in range(_NCHUNK - _NBUF, _NCHUNK):
        out_wait(j % _NBUF)


def kernel(input_ids, embedding_table):
    ids = input_ids.reshape(_NW, _NCHUNK, _CHUNK)
    out = _embed_lookup(embedding_table, ids)
    return out.reshape(_BATCH, _SEQ, _HIDDEN)

# --- scband reference (transcript-rebuilt; emitter-appended) ---
"""Pipeline reference for scband-diffu-coder-embedding-70385924046923 (READ-ONLY COPY).

The authoritative reference and input builder live on the scoring server;
editing this copy changes nothing except your own understanding.
"""

import jax, jax.numpy as jnp
import numpy as np

VOCAB = 32000 + 2  # vocab_size + 2 special tokens (mask, pad)
HIDDEN = 2048
BATCH = 4
SEQ = 4096
INIT_STD = 0.02


def setup_inputs(seed: int = 0) -> dict:
    key = jax.random.key(seed)
    k_ids, k_tab = jax.random.split(key)
    input_ids = jax.random.randint(k_ids, (BATCH, SEQ), 0, 32000, dtype=jnp.int32)
    embedding_table = jax.random.normal(k_tab, (VOCAB, HIDDEN), dtype=jnp.float32) * INIT_STD
    return {"input_ids": input_ids, "embedding_table": embedding_table}


def reference(input_ids, embedding_table):
    # nn.Embed: gather rows of the embedding table by token id
    token_embeds = jnp.take(embedding_table, input_ids, axis=0)
    return token_embeds

if __name__ == "__main__":
    import jax
    _d = setup_inputs()
    print(jax.jit(kernel)(*tuple(_d.values())))

</pallas_src>

<mosaic_0001>
#map = affine_map<(d0, d1) -> (0, 0)>
#map1 = affine_map<(d0, d1) -> (0, 0, 0)>
module attributes {stable_mosaic.version = 14 : i64} {
  func.func @_embed_lookup(%arg0: i32, %arg1: i32, %arg2: memref<32002x2048xf32, #tpu.memory_space<hbm>>, %arg3: memref<32x64x8xi32, #tpu.memory_space<hbm>>, %arg4: memref<16384x2048xf32, #tpu.memory_space<hbm>>, %arg5: memref<64x8xi32, #tpu.memory_space<vmem>>, %arg6: memref<8x2048xf32, #tpu.memory_space<vmem>>, %arg7: memref<8x2048xf32, #tpu.memory_space<vmem>>, %arg8: memref<8x2048xf32, #tpu.memory_space<vmem>>, %arg9: memref<16x3x8x2048xf32, #tpu.memory_space<vmem_shared>>, %arg10: memref<!tpu.dma_semaphore, #tpu.memory_space<semaphore_mem>>, %arg11: memref<!tpu.dma_semaphore, #tpu.memory_space<semaphore_mem>>, %arg12: memref<!tpu.dma_semaphore, #tpu.memory_space<semaphore_mem>>, %arg13: memref<!tpu.dma_semaphore, #tpu.memory_space<semaphore_mem>>, %arg14: memref<!tpu.dma_semaphore, #tpu.memory_space<semaphore_mem>>, %arg15: memref<!tpu.dma_semaphore, #tpu.memory_space<semaphore_mem>>, %arg16: memref<!tpu.dma_semaphore, #tpu.memory_space<semaphore_mem>>, %arg17: memref<!tpu.dma_semaphore, #tpu.memory_space<semaphore_mem>>, %arg18: memref<!tpu.dma_semaphore, #tpu.memory_space<semaphore_mem>>) attributes {dimension_semantics = [#tpu.dimension_semantics<core_parallel>, #tpu.dimension_semantics<subcore_parallel>], iteration_bounds = array<i64: 2, 16>, scalar_prefetch = 0 : i64, scratch_operands = 14 : i64, tpu.core_type = #tpu.core_type<sc_vector_subcore>, window_params = [{transform_indices = #map}, {transform_indices = #map1}, {transform_indices = #map}]} {
    %mul3A = arith.constant 2 : i32
    %mul3A_0 = arith.muli %arg1, %mul3A : i32
    %add3A = arith.addi %mul3A_0, %arg0 : i32
    %mul3A_1 = arith.constant 512 : i32
    %mul3A_2 = arith.muli %add3A, %mul3A_1 : i32
    "tpu.region"() ({
      %run_scoped3A = tpu.sem_alloc : memref<!tpu.dma_semaphore, #tpu.memory_space<semaphore_mem>>
      %dma_start3A_342 = arith.constant 0 : i32
      %dma_start3A_343 = arith.constant 0 : i32
      %dma_start3A_344 = tpu.memref_slice %arg3[%add3A, %dma_start3A_342, %dma_start3A_343] : memref<32x64x8xi32, #tpu.memory_space<hbm>> -> memref<1x64x8xi32, #tpu.memory_space<hbm>>
      %dma_start3A_345 = tpu.memref_squeeze %dma_start3A_344 : memref<1x64x8xi32, #tpu.memory_space<hbm>> -> memref<64x8xi32, #tpu.memory_space<hbm>>
      %dma_start3A_346 = arith.constant 0 : i32
      %dma_start3A_347 = arith.constant 0 : i32
      %dma_start3A_348 = tpu.memref_slice %arg3[%add3A, %dma_start3A_346, %dma_start3A_347] : memref<32x64x8xi32, #tpu.memory_space<hbm>> -> memref<1x64x8xi32, #tpu.memory_space<hbm>>
      %dma_start3A_349 = tpu.memref_squeeze %dma_start3A_348 : memref<1x64x8xi32, #tpu.memory_space<hbm>> -> memref<64x8xi32, #tpu.memory_space<hbm>>
      tpu.enqueue_dma source(%dma_start3A_349 : memref<64x8xi32, #tpu.memory_space<hbm>>) target(%arg5 : memref<64x8xi32, #tpu.memory_space<vmem>>) target_semaphore(%run_scoped3A : memref<!tpu.dma_semaphore, #tpu.memory_space<semaphore_mem>>)
      %dma_wait3A_350 = arith.constant 0 : i32
      %dma_wait3A_351 = arith.constant 0 : i32
      %dma_wait3A_352 = tpu.memref_slice %arg3[%add3A, %dma_wait3A_350, %dma_wait3A_351] : memref<32x64x8xi32, #tpu.memory_space<hbm>> -> memref<1x64x8xi32, #tpu.memory_space<hbm>>
      %dma_wait3A_353 = tpu.memref_squeeze %dma_wait3A_352 : memref<1x64x8xi32, #tpu.memory_space<hbm>> -> memref<64x8xi32, #tpu.memory_space<hbm>>
      %dma_wait3A_354 = arith.constant 0 : i32
      %dma_wait3A_355 = arith.constant 0 : i32
      %dma_wait3A_356 = tpu.memref_slice %arg3[%add3A, %dma_wait3A_354, %dma_wait3A_355] : memref<32x64x8xi32, #tpu.memory_space<hbm>> -> memref<1x64x8xi32, #tpu.memory_space<hbm>>
      %dma_wait3A_357 = tpu.memref_squeeze %dma_wait3A_356 : memref<1x64x8xi32, #tpu.memory_space<hbm>> -> memref<64x8xi32, #tpu.memory_space<hbm>>
      tpu.wait_dma2 semaphore(%run_scoped3A : memref<!tpu.dma_semaphore, #tpu.memory_space<semaphore_mem>>) src(%dma_wait3A_357 : memref<64x8xi32, #tpu.memory_space<hbm>>) dst(%arg5 : memref<64x8xi32, #tpu.memory_space<vmem>>)
      tpu.yield
    }) : () -> ()
    %dma_start3A = arith.constant 0 : i32
    %dma_start3A_3 = arith.constant 0 : i32
    %dma_start3A_4 = tpu.memref_slice %arg5[%dma_start3A, %dma_start3A_3] : memref<64x8xi32, #tpu.memory_space<vmem>> -> memref<1x8xi32, #tpu.memory_space<vmem>>
    %dma_start3A_5 = tpu.memref_squeeze %dma_start3A_4 : memref<1x8xi32, #tpu.memory_space<vmem>> -> memref<8xi32, #tpu.memory_space<vmem>>
    %dma_start3A_6 = arith.constant 0 : i32
    %dma_start3A_7 = arith.constant 0 : i32
    %dma_start3A_8 = tpu.memref_slice %arg2[%dma_start3A_6, %dma_start3A_7] : memref<32002x2048xf32, #tpu.memory_space<hbm>> -> memref<32002x2048xf32, #tpu.memory_space<hbm>>
    tpu.enqueue_indirect_dma source(%dma_start3A_8 : memref<32002x2048xf32, #tpu.memory_space<hbm>>) target(%arg6 : memref<8x2048xf32, #tpu.memory_space<vmem>>) offsets(%dma_start3A_5 : memref<8xi32, #tpu.memory_space<vmem>>) semaphore(%arg10 : memref<!tpu.dma_semaphore, #tpu.memory_space<semaphore_mem>>)
    %dma_start3A_9 = arith.constant 1 : i32
    %dma_start3A_10 = arith.constant 0 : i32
    %dma_start3A_11 = tpu.memref_slice %arg5[%dma_start3A_9, %dma_start3A_10] : memref<64x8xi32, #tpu.memory_space<vmem>> -> memref<1x8xi32, #tpu.memory_space<vmem>>
    %dma_start3A_12 = tpu.memref_squeeze %dma_start3A_11 : memref<1x8xi32, #tpu.memory_space<vmem>> -> memref<8xi32, #tpu.memory_space<vmem>>
    %dma_start3A_13 = arith.constant 0 : i32
    %dma_start3A_14 = arith.constant 0 : i32
    %dma_start3A_15 = tpu.memref_slice %arg2[%dma_start3A_13, %dma_start3A_14] : memref<32002x2048xf32, #tpu.memory_space<hbm>> -> memref<32002x2048xf32, #tpu.memory_space<hbm>>
    tpu.enqueue_indirect_dma source(%dma_start3A_15 : memref<32002x2048xf32, #tpu.memory_space<hbm>>) target(%arg7 : memref<8x2048xf32, #tpu.memory_space<vmem>>) offsets(%dma_start3A_12 : memref<8xi32, #tpu.memory_space<vmem>>) semaphore(%arg11 : memref<!tpu.dma_semaphore, #tpu.memory_space<semaphore_mem>>)
    %dma_start3A_16 = arith.constant 2 : i32
    %dma_start3A_17 = arith.constant 0 : i32
    %dma_start3A_18 = tpu.memref_slice %arg5[%dma_start3A_16, %dma_start3A_17] : memref<64x8xi32, #tpu.memory_space<vmem>> -> memref<1x8xi32, #tpu.memory_space<vmem>>
    %dma_start3A_19 = tpu.memref_squeeze %dma_start3A_18 : memref<1x8xi32, #tpu.memory_space<vmem>> -> memref<8xi32, #tpu.memory_space<vmem>>
    %dma_start3A_20 = arith.constant 0 : i32
    %dma_start3A_21 = arith.constant 0 : i32
    %dma_start3A_22 = tpu.memref_slice %arg2[%dma_start3A_20, %dma_start3A_21] : memref<32002x2048xf32, #tpu.memory_space<hbm>> -> memref<32002x2048xf32, #tpu.memory_space<hbm>>
    tpu.enqueue_indirect_dma source(%dma_start3A_22 : memref<32002x2048xf32, #tpu.memory_space<hbm>>) target(%arg8 : memref<8x2048xf32, #tpu.memory_space<vmem>>) offsets(%dma_start3A_19 : memref<8xi32, #tpu.memory_space<vmem>>) semaphore(%arg12 : memref<!tpu.dma_semaphore, #tpu.memory_space<semaphore_mem>>)
    %dma_wait3A = arith.constant 0 : i32
    %dma_wait3A_23 = arith.constant 0 : i32
    %dma_wait3A_24 = tpu.memref_slice %arg5[%dma_wait3A, %dma_wait3A_23] : memref<64x8xi32, #tpu.memory_space<vmem>> -> memref<1x8xi32, #tpu.memory_space<vmem>>
    %dma_wait3A_25 = tpu.memref_squeeze %dma_wait3A_24 : memref<1x8xi32, #tpu.memory_space<vmem>> -> memref<8xi32, #tpu.memory_space<vmem>>
    %dma_wait3A_26 = arith.constant 0 : i32
    %dma_wait3A_27 = arith.constant 0 : i32
    %dma_wait3A_28 = tpu.memref_slice %arg2[%dma_wait3A_26, %dma_wait3A_27] : memref<32002x2048xf32, #tpu.memory_space<hbm>> -> memref<32002x2048xf32, #tpu.memory_space<hbm>>
    tpu.wait_indirect_dma semaphore(%arg10 : memref<!tpu.dma_semaphore, #tpu.memory_space<semaphore_mem>>) src(%dma_wait3A_28 : memref<32002x2048xf32, #tpu.memory_space<hbm>>) dst(%arg6 : memref<8x2048xf32, #tpu.memory_space<vmem>>)
    %dma_start3A_29 = arith.constant 0 : i32
    %dma_start3A_30 = arith.constant 0 : i32
    %dma_start3A_31 = arith.constant 0 : i32
    %dma_start3A_32 = tpu.memref_slice %arg9[%arg1, %dma_start3A_29, %dma_start3A_30, %dma_start3A_31] : memref<16x3x8x2048xf32, #tpu.memory_space<vmem_shared>> -> memref<1x1x8x2048xf32, #tpu.memory_space<vmem_shared>>
    %dma_start3A_33 = tpu.memref_squeeze %dma_start3A_32 : memref<1x1x8x2048xf32, #tpu.memory_space<vmem_shared>> -> memref<8x2048xf32, #tpu.memory_space<vmem_shared>>
    %dma_start3A_34 = arith.constant 0 : i32
    %dma_start3A_35 = arith.constant 0 : i32
    %dma_start3A_36 = tpu.memref_slice %arg9[%arg1, %dma_start3A_29, %dma_start3A_34, %dma_start3A_35] : memref<16x3x8x2048xf32, #tpu.memory_space<vmem_shared>> -> memref<1x1x8x2048xf32, #tpu.memory_space<vmem_shared>>
    %dma_start3A_37 = tpu.memref_squeeze %dma_start3A_36 : memref<1x1x8x2048xf32, #tpu.memory_space<vmem_shared>> -> memref<8x2048xf32, #tpu.memory_space<vmem_shared>>
    tpu.enqueue_dma source(%arg6 : memref<8x2048xf32, #tpu.memory_space<vmem>>) target(%dma_start3A_37 : memref<8x2048xf32, #tpu.memory_space<vmem_shared>>) target_semaphore(%arg13 : memref<!tpu.dma_semaphore, #tpu.memory_space<semaphore_mem>>)
    %dma_wait3A_38 = arith.constant 0 : i32
    %dma_wait3A_39 = arith.constant 0 : i32
    %dma_wait3A_40 = arith.constant 0 : i32
    %dma_wait3A_41 = tpu.memref_slice %arg9[%arg1, %dma_wait3A_38, %dma_wait3A_39, %dma_wait3A_40] : memref<16x3x8x2048xf32, #tpu.memory_space<vmem_shared>> -> memref<1x1x8x2048xf32, #tpu.memory_space<vmem_shared>>
    %dma_wait3A_42 = tpu.memref_squeeze %dma_wait3A_41 : memref<1x1x8x2048xf32, #tpu.memory_space<vmem_shared>> -> memref<8x2048xf32, #tpu.memory_space<vmem_shared>>
    %dma_wait3A_43 = arith.constant 0 : i32
    %dma_wait3A_44 = arith.constant 0 : i32
    %dma_wait3A_45 = tpu.memref_slice %arg9[%arg1, %dma_wait3A_38, %dma_wait3A_43, %dma_wait3A_44] : memref<16x3x8x2048xf32, #tpu.memory_space<vmem_shared>> -> memref<1x1x8x2048xf32, #tpu.memory_space<vmem_shared>>
    %dma_wait3A_46 = tpu.memref_squeeze %dma_wait3A_45 : memref<1x1x8x2048xf32, #tpu.memory_space<vmem_shared>> -> memref<8x2048xf32, #tpu.memory_space<vmem_shared>>
    tpu.wait_dma2 semaphore(%arg13 : memref<!tpu.dma_semaphore, #tpu.memory_space<semaphore_mem>>) src(%arg6 : memref<8x2048xf32, #tpu.memory_space<vmem>>) dst(%dma_wait3A_46 : memref<8x2048xf32, #tpu.memory_space<vmem_shared>>)
    %add3A_47 = arith.constant 0 : i32
    %add3A_48 = arith.addi %mul3A_2, %add3A_47 : i32
    %dma_start3A_49 = arith.constant 0 : i32
    %dma_start3A_50 = arith.constant 0 : i32
    %dma_start3A_51 = tpu.memref_slice %arg4[%add3A_48, %dma_start3A_50] : memref<16384x2048xf32, #tpu.memory_space<hbm>> -> memref<8x2048xf32, #tpu.memory_space<hbm>>
    %dma_start3A_52 = arith.constant 0 : i32
    %dma_start3A_53 = arith.constant 0 : i32
    %dma_start3A_54 = tpu.memref_slice %arg9[%arg1, %dma_start3A_49, %dma_start3A_52, %dma_start3A_53] : memref<16x3x8x2048xf32, #tpu.memory_space<vmem_shared>> -> memref<1x1x8x2048xf32, #tpu.memory_space<vmem_shared>>
    %dma_start3A_55 = tpu.memref_squeeze %dma_start3A_54 : memref<1x1x8x2048xf32, #tpu.memory_space<vmem_shared>> -> memref<8x2048xf32, #tpu.memory_space<vmem_shared>>
    tpu.enqueue_dma source(%dma_start3A_55 : memref<8x2048xf32, #tpu.memory_space<vmem_shared>>) target(%dma_start3A_51 : memref<8x2048xf32, #tpu.memory_space<hbm>>) target_semaphore(%arg16 : memref<!tpu.dma_semaphore, #tpu.memory_space<semaphore_mem>>)
    %dma_start3A_56 = arith.constant 3 : i32
    %dma_start3A_57 = arith.constant 0 : i32
    %dma_start3A_58 = tpu.memref_slice %arg5[%dma_start3A_56, %dma_start3A_57] : memref<64x8xi32, #tpu.memory_space<vmem>> -> memref<1x8xi32, #tpu.memory_space<vmem>>
    %dma_start3A_59 = tpu.memref_squeeze %dma_start3A_58 : memref<1x8xi32, #tpu.memory_space<vmem>> -> memref<8xi32, #tpu.memory_space<vmem>>
    %dma_start3A_60 = arith.constant 0 : i32
    %dma_start3A_61 = arith.constant 0 : i32
    %dma_start3A_62 = tpu.memref_slice %arg2[%dma_start3A_60, %dma_start3A_61] : memref<32002x2048xf32, #tpu.memory_space<hbm>> -> memref<32002x2048xf32, #tpu.memory_space<hbm>>
    tpu.enqueue_indirect_dma source(%dma_start3A_62 : memref<32002x2048xf32, #tpu.memory_space<hbm>>) target(%arg6 : memref<8x2048xf32, #tpu.memory_space<vmem>>) offsets(%dma_start3A_59 : memref<8xi32, #tpu.memory_space<vmem>>) semaphore(%arg10 : memref<!tpu.dma_semaphore, #tpu.memory_space<semaphore_mem>>)
    %dma_wait3A_63 = arith.constant 0 : i32
    %dma_wait3A_64 = arith.constant 0 : i32
    %dma_wait3A_65 = tpu.memref_slice %arg5[%dma_wait3A_63, %dma_wait3A_64] : memref<64x8xi32, #tpu.memory_space<vmem>> -> memref<1x8xi32, #tpu.memory_space<vmem>>
    %dma_wait3A_66 = tpu.memref_squeeze %dma_wait3A_65 : memref<1x8xi32, #tpu.memory_space<vmem>> -> memref<8xi32, #tpu.memory_space<vmem>>
    %dma_wait3A_67 = arith.constant 0 : i32
    %dma_wait3A_68 = arith.constant 0 : i32
    %dma_wait3A_69 = tpu.memref_slice %arg2[%dma_wait3A_67, %dma_wait3A_68] : memref<32002x2048xf32, #tpu.memory_space<hbm>> -> memref<32002x2048xf32, #tpu.memory_space<hbm>>
    tpu.wait_indirect_dma semaphore(%arg11 : memref<!tpu.dma_semaphore, #tpu.memory_space<semaphore_mem>>) src(%dma_wait3A_69 : memref<32002x2048xf32, #tpu.memory_space<hbm>>) dst(%arg7 : memref<8x2048xf32, #tpu.memory_space<vmem>>)
    %dma_start3A_70 = arith.constant 1 : i32
    %dma_start3A_71 = arith.constant 0 : i32
    %dma_start3A_72 = arith.constant 0 : i32
    %dma_start3A_73 = tpu.memref_slice %arg9[%arg1, %dma_start3A_70, %dma_start3A_71, %dma_start3A_72] : memref<16x3x8x2048xf32, #tpu.memory_space<vmem_shared>> -> memref<1x1x8x2048xf32, #tpu.memory_space<vmem_shared>>
    %dma_start3A_74 = tpu.memref_squeeze %dma_start3A_73 : memref<1x1x8x2048xf32, #tpu.memory_space<vmem_shared>> -> memref<8x2048xf32, #tpu.memory_space<vmem_shared>>
    %dma_start3A_75 = arith.constant 0 : i32
    %dma_start3A_76 = arith.constant 0 : i32
    %dma_start3A_77 = tpu.memref_slice %arg9[%arg1, %dma_start3A_70, %dma_start3A_75, %dma_start3A_76] : memref<16x3x8x2048xf32, #tpu.memory_space<vmem_shared>> -> memref<1x1x8x2048xf32, #tpu.memory_space<vmem_shared>>
    %dma_start3A_78 = tpu.memref_squeeze %dma_start3A_77 : memref<1x1x8x2048xf32, #tpu.memory_space<vmem_shared>> -> memref<8x2048xf32, #tpu.memory_space<vmem_shared>>
    tpu.enqueue_dma source(%arg7 : memref<8x2048xf32, #tpu.memory_space<vmem>>) target(%dma_start3A_78 : memref<8x2048xf32, #tpu.memory_space<vmem_shared>>) target_semaphore(%arg14 : memref<!tpu.dma_semaphore, #tpu.memory_space<semaphore_mem>>)
    %dma_wait3A_79 = arith.constant 1 : i32
    %dma_wait3A_80 = arith.constant 0 : i32
    %dma_wait3A_81 = arith.constant 0 : i32
    %dma_wait3A_82 = tpu.memref_slice %arg9[%arg1, %dma_wait3A_79, %dma_wait3A_80, %dma_wait3A_81] : memref<16x3x8x2048xf32, #tpu.memory_space<vmem_shared>> -> memref<1x1x8x2048xf32, #tpu.memory_space<vmem_shared>>
    %dma_wait3A_83 = tpu.memref_squeeze %dma_wait3A_82 : memref<1x1x8x2048xf32, #tpu.memory_space<vmem_shared>> -> memref<8x2048xf32, #tpu.memory_space<vmem_shared>>
    %dma_wait3A_84 = arith.constant 0 : i32
    %dma_wait3A_85 = arith.constant 0 : i32
    %dma_wait3A_86 = tpu.memref_slice %arg9[%arg1, %dma_wait3A_79, %dma_wait3A_84, %dma_wait3A_85] : memref<16x3x8x2048xf32, #tpu.memory_space<vmem_shared>> -> memref<1x1x8x2048xf32, #tpu.memory_space<vmem_shared>>
    %dma_wait3A_87 = tpu.memref_squeeze %dma_wait3A_86 : memref<1x1x8x2048xf32, #tpu.memory_space<vmem_shared>> -> memref<8x2048xf32, #tpu.memory_space<vmem_shared>>
    tpu.wait_dma2 semaphore(%arg14 : memref<!tpu.dma_semaphore, #tpu.memory_space<semaphore_mem>>) src(%arg7 : memref<8x2048xf32, #tpu.memory_space<vmem>>) dst(%dma_wait3A_87 : memref<8x2048xf32, #tpu.memory_space<vmem_shared>>)
    %add3A_88 = arith.constant 8 : i32
    %add3A_89 = arith.addi %mul3A_2, %add3A_88 : i32
    %dma_start3A_90 = arith.constant 1 : i32
    %dma_start3A_91 = arith.constant 0 : i32
    %dma_start3A_92 = tpu.memref_slice %arg4[%add3A_89, %dma_start3A_91] : memref<16384x2048xf32, #tpu.memory_space<hbm>> -> memref<8x2048xf32, #tpu.memory_space<hbm>>
    %dma_start3A_93 = arith.constant 0 : i32
    %dma_start3A_94 = arith.constant 0 : i32
    %dma_start3A_95 = tpu.memref_slice %arg9[%arg1, %dma_start3A_90, %dma_start3A_93, %dma_start3A_94] : memref<16x3x8x2048xf32, #tpu.memory_space<vmem_shared>> -> memref<1x1x8x2048xf32, #tpu.memory_space<vmem_shared>>
    %dma_start3A_96 = tpu.memref_squeeze %dma_start3A_95 : memref<1x1x8x2048xf32, #tpu.memory_space<vmem_shared>> -> memref<8x2048xf32, #tpu.memory_space<vmem_shared>>
    tpu.enqueue_dma source(%dma_start3A_96 : memref<8x2048xf32, #tpu.memory_space<vmem_shared>>) target(%dma_start3A_92 : memref<8x2048xf32, #tpu.memory_space<hbm>>) target_semaphore(%arg17 : memref<!tpu.dma_semaphore, #tpu.memory_space<semaphore_mem>>)
    %dma_start3A_97 = arith.constant 4 : i32
    %dma_start3A_98 = arith.constant 0 : i32
    %dma_start3A_99 = tpu.memref_slice %arg5[%dma_start3A_97, %dma_start3A_98] : memref<64x8xi32, #tpu.memory_space<vmem>> -> memref<1x8xi32, #tpu.memory_space<vmem>>
    %dma_start3A_100 = tpu.memref_squeeze %dma_start3A_99 : memref<1x8xi32, #tpu.memory_space<vmem>> -> memref<8xi32, #tpu.memory_space<vmem>>
    %dma_start3A_101 = arith.constant 0 : i32
    %dma_start3A_102 = arith.constant 0 : i32
    %dma_start3A_103 = tpu.memref_slice %arg2[%dma_start3A_101, %dma_start3A_102] : memref<32002x2048xf32, #tpu.memory_space<hbm>> -> memref<32002x2048xf32, #tpu.memory_space<hbm>>
    tpu.enqueue_indirect_dma source(%dma_start3A_103 : memref<32002x2048xf32, #tpu.memory_space<hbm>>) target(%arg7 : memref<8x2048xf32, #tpu.memory_space<vmem>>) offsets(%dma_start3A_100 : memref<8xi32, #tpu.memory_space<vmem>>) semaphore(%arg11 : memref<!tpu.dma_semaphore, #tpu.memory_space<semaphore_mem>>)
    %dma_wait3A_104 = arith.constant 0 : i32
    %dma_wait3A_105 = arith.constant 0 : i32
    %dma_wait3A_106 = tpu.memref_slice %arg5[%dma_wait3A_104, %dma_wait3A_105] : memref<64x8xi32, #tpu.memory_space<vmem>> -> memref<1x8xi32, #tpu.memory_space<vmem>>
    %dma_wait3A_107 = tpu.memref_squeeze %dma_wait3A_106 : memref<1x8xi32, #tpu.memory_space<vmem>> -> memref<8xi32, #tpu.memory_space<vmem>>
    %dma_wait3A_108 = arith.constant 0 : i32
    %dma_wait3A_109 = arith.constant 0 : i32
    %dma_wait3A_110 = tpu.memref_slice %arg2[%dma_wait3A_108, %dma_wait3A_109] : memref<32002x2048xf32, #tpu.memory_space<hbm>> -> memref<32002x2048xf32, #tpu.memory_space<hbm>>
    tpu.wait_indirect_dma semaphore(%arg12 : memref<!tpu.dma_semaphore, #tpu.memory_space<semaphore_mem>>) src(%dma_wait3A_110 : memref<32002x2048xf32, #tpu.memory_space<hbm>>) dst(%arg8 : memref<8x2048xf32, #tpu.memory_space<vmem>>)
    %dma_start3A_111 = arith.constant 2 : i32
    %dma_start3A_112 = arith.constant 0 : i32
    %dma_start3A_113 = arith.constant 0 : i32
    %dma_start3A_114 = tpu.memref_slice %arg9[%arg1, %dma_start3A_111, %dma_start3A_112, %dma_start3A_113] : memref<16x3x8x2048xf32, #tpu.memory_space<vmem_shared>> -> memref<1x1x8x2048xf32, #tpu.memory_space<vmem_shared>>
    %dma_start3A_115 = tpu.memref_squeeze %dma_start3A_114 : memref<1x1x8x2048xf32, #tpu.memory_space<vmem_shared>> -> memref<8x2048xf32, #tpu.memory_space<vmem_shared>>
    %dma_start3A_116 = arith.constant 0 : i32
    %dma_start3A_117 = arith.constant 0 : i32
    %dma_start3A_118 = tpu.memref_slice %arg9[%arg1, %dma_start3A_111, %dma_start3A_116, %dma_start3A_117] : memref<16x3x8x2048xf32, #tpu.memory_space<vmem_shared>> -> memref<1x1x8x2048xf32, #tpu.memory_space<vmem_shared>>
    %dma_start3A_119 = tpu.memref_squeeze %dma_start3A_118 : memref<1x1x8x2048xf32, #tpu.memory_space<vmem_shared>> -> memref<8x2048xf32, #tpu.memory_space<vmem_shared>>
    tpu.enqueue_dma source(%arg8 : memref<8x2048xf32, #tpu.memory_space<vmem>>) target(%dma_start3A_119 : memref<8x2048xf32, #tpu.memory_space<vmem_shared>>) target_semaphore(%arg15 : memref<!tpu.dma_semaphore, #tpu.memory_space<semaphore_mem>>)
    %dma_wait3A_120 = arith.constant 2 : i32
    %dma_wait3A_121 = arith.constant 0 : i32
    %dma_wait3A_122 = arith.constant 0 : i32
    %dma_wait3A_123 = tpu.memref_slice %arg9[%arg1, %dma_wait3A_120, %dma_wait3A_121, %dma_wait3A_122] : memref<16x3x8x2048xf32, #tpu.memory_space<vmem_shared>> -> memref<1x1x8x2048xf32, #tpu.memory_space<vmem_shared>>
    %dma_wait3A_124 = tpu.memref_squeeze %dma_wait3A_123 : memref<1x1x8x2048xf32, #tpu.memory_space<vmem_shared>> -> memref<8x2048xf32, #tpu.memory_space<vmem_shared>>
    %dma_wait3A_125 = arith.constant 0 : i32
    %dma_wait3A_126 = arith.constant 0 : i32
    %dma_wait3A_127 = tpu.memref_slice %arg9[%arg1, %dma_wait3A_120, %dma_wait3A_125, %dma_wait3A_126] : memref<16x3x8x2048xf32, #tpu.memory_space<vmem_shared>> -> memref<1x1x8x2048xf32, #tpu.memory_space<vmem_shared>>
    %dma_wait3A_128 = tpu.memref_squeeze %dma_wait3A_127 : memref<1x1x8x2048xf32, #tpu.memory_space<vmem_shared>> -> memref<8x2048xf32, #tpu.memory_space<vmem_shared>>
    tpu.wait_dma2 semaphore(%arg15 : memref<!tpu.dma_semaphore, #tpu.memory_space<semaphore_mem>>) src(%arg8 : memref<8x2048xf32, #tpu.memory_space<vmem>>) dst(%dma_wait3A_128 : memref<8x2048xf32, #tpu.memory_space<vmem_shared>>)
    %add3A_129 = arith.constant 16 : i32
    %add3A_130 = arith.addi %mul3A_2, %add3A_129 : i32
    %dma_start3A_131 = arith.constant 2 : i32
    %dma_start3A_132 = arith.constant 0 : i32
    %dma_start3A_133 = tpu.memref_slice %arg4[%add3A_130, %dma_start3A_132] : memref<16384x2048xf32, #tpu.memory_space<hbm>> -> memref<8x2048xf32, #tpu.memory_space<hbm>>
    %dma_start3A_134 = arith.constant 0 : i32
    %dma_start3A_135 = arith.constant 0 : i32
    %dma_start3A_136 = tpu.memref_slice %arg9[%arg1, %dma_start3A_131, %dma_start3A_134, %dma_start3A_135] : memref<16x3x8x2048xf32, #tpu.memory_space<vmem_shared>> -> memref<1x1x8x2048xf32, #tpu.memory_space<vmem_shared>>
    %dma_start3A_137 = tpu.memref_squeeze %dma_start3A_136 : memref<1x1x8x2048xf32, #tpu.memory_space<vmem_shared>> -> memref<8x2048xf32, #tpu.memory_space<vmem_shared>>
    tpu.enqueue_dma source(%dma_start3A_137 : memref<8x2048xf32, #tpu.memory_space<vmem_shared>>) target(%dma_start3A_133 : memref<8x2048xf32, #tpu.memory_space<hbm>>) target_semaphore(%arg18 : memref<!tpu.dma_semaphore, #tpu.memory_space<semaphore_mem>>)
    %dma_start3A_138 = arith.constant 5 : i32
    %dma_start3A_139 = arith.constant 0 : i32
    %dma_start3A_140 = tpu.memref_slice %arg5[%dma_start3A_138, %dma_start3A_139] : memref<64x8xi32, #tpu.memory_space<vmem>> -> memref<1x8xi32, #tpu.memory_space<vmem>>
    %dma_start3A_141 = tpu.memref_squeeze %dma_start3A_140 : memref<1x8xi32, #tpu.memory_space<vmem>> -> memref<8xi32, #tpu.memory_space<vmem>>
    %dma_start3A_142 = arith.constant 0 : i32
    %dma_start3A_143 = arith.constant 0 : i32
    %dma_start3A_144 = tpu.memref_slice %arg2[%dma_start3A_142, %dma_start3A_143] : memref<32002x2048xf32, #tpu.memory_space<hbm>> -> memref<32002x2048xf32, #tpu.memory_space<hbm>>
    tpu.enqueue_indirect_dma source(%dma_start3A_144 : memref<32002x2048xf32, #tpu.memory_space<hbm>>) target(%arg8 : memref<8x2048xf32, #tpu.memory_space<vmem>>) offsets(%dma_start3A_141 : memref<8xi32, #tpu.memory_space<vmem>>) semaphore(%arg12 : memref<!tpu.dma_semaphore, #tpu.memory_space<semaphore_mem>>)
    %scan3A = arith.constant 0 : i32
    %scan3A_145 = arith.constant 1 : i32
    %scan3A_146 = arith.constant 19 : i32
    %scan3A_147 = arith.addi %scan3A_145, %scan3A_146 : i32
    %scan3A_148 = arith.constant 1 : i32
    scf.for %scan3A_342 = %scan3A_145 to %scan3A_147 step %scan3A_148  : i32 {
      %mul3A_343 = arith.constant 3 : i32
      %mul3A_344 = arith.muli %mul3A_343, %scan3A_342 : i32
      %add3A_345 = arith.constant 0 : i32
      %add3A_346 = arith.addi %mul3A_344, %add3A_345 : i32
      %dma_wait3A_347 = arith.constant 0 : i32
      %dma_wait3A_348 = arith.constant 0 : i32
      %dma_wait3A_349 = tpu.memref_slice %arg4[%mul3A_2, %dma_wait3A_348] : memref<16384x2048xf32, #tpu.memory_space<hbm>> -> memref<8x2048xf32, #tpu.memory_space<hbm>>
      %dma_wait3A_350 = arith.constant 0 : i32
      %dma_wait3A_351 = arith.constant 0 : i32
      %dma_wait3A_352 = tpu.memref_slice %arg9[%arg1, %dma_wait3A_347, %dma_wait3A_350, %dma_wait3A_351] : memref<16x3x8x2048xf32, #tpu.memory_space<vmem_shared>> -> memref<1x1x8x2048xf32, #tpu.memory_space<vmem_shared>>
      %dma_wait3A_353 = tpu.memref_squeeze %dma_wait3A_352 : memref<1x1x8x2048xf32, #tpu.memory_space<vmem_shared>> -> memref<8x2048xf32, #tpu.memory_space<vmem_shared>>
      tpu.wait_dma2 semaphore(%arg16 : memref<!tpu.dma_semaphore, #tpu.memory_space<semaphore_mem>>) src(%dma_wait3A_353 : memref<8x2048xf32, #tpu.memory_space<vmem_shared>>) dst(%dma_wait3A_349 : memref<8x2048xf32, #tpu.memory_space<hbm>>)
      %dma_wait3A_354 = arith.constant 0 : i32
      %dma_wait3A_355 = arith.constant 0 : i32
      %dma_wait3A_356 = tpu.memref_slice %arg5[%dma_wait3A_354, %dma_wait3A_355] : memref<64x8xi32, #tpu.memory_space<vmem>> -> memref<1x8xi32, #tpu.memory_space<vmem>>
      %dma_wait3A_357 = tpu.memref_squeeze %dma_wait3A_356 : memref<1x8xi32, #tpu.memory_space<vmem>> -> memref<8xi32, #tpu.memory_space<vmem>>
      %dma_wait3A_358 = arith.constant 0 : i32
      %dma_wait3A_359 = arith.constant 0 : i32
      %dma_wait3A_360 = tpu.memref_slice %arg2[%dma_wait3A_358, %dma_wait3A_359] : memref<32002x2048xf32, #tpu.memory_space<hbm>> -> memref<32002x2048xf32, #tpu.memory_space<hbm>>
      tpu.wait_indirect_dma semaphore(%arg10 : memref<!tpu.dma_semaphore, #tpu.memory_space<semaphore_mem>>) src(%dma_wait3A_360 : memref<32002x2048xf32, #tpu.memory_space<hbm>>) dst(%arg6 : memref<8x2048xf32, #tpu.memory_space<vmem>>)
      %dma_start3A_361 = arith.constant 0 : i32
      %dma_start3A_362 = arith.constant 0 : i32
      %dma_start3A_363 = arith.constant 0 : i32
      %dma_start3A_364 = tpu.memref_slice %arg9[%arg1, %dma_start3A_361, %dma_start3A_362, %dma_start3A_363] : memref<16x3x8x2048xf32, #tpu.memory_space<vmem_shared>> -> memref<1x1x8x2048xf32, #tpu.memory_space<vmem_shared>>
      %dma_start3A_365 = tpu.memref_squeeze %dma_start3A_364 : memref<1x1x8x2048xf32, #tpu.memory_space<vmem_shared>> -> memref<8x2048xf32, #tpu.memory_space<vmem_shared>>
      %dma_start3A_366 = arith.constant 0 : i32
      %dma_start3A_367 = arith.constant 0 : i32
      %dma_start3A_368 = tpu.memref_slice %arg9[%arg1, %dma_start3A_361, %dma_start3A_366, %dma_start3A_367] : memref<16x3x8x2048xf32, #tpu.memory_space<vmem_shared>> -> memref<1x1x8x2048xf32, #tpu.memory_space<vmem_shared>>
      %dma_start3A_369 = tpu.memref_squeeze %dma_start3A_368 : memref<1x1x8x2048xf32, #tpu.memory_space<vmem_shared>> -> memref<8x2048xf32, #tpu.memory_space<vmem_shared>>
      tpu.enqueue_dma source(%arg6 : memref<8x2048xf32, #tpu.memory_space<vmem>>) target(%dma_start3A_369 : memref<8x2048xf32, #tpu.memory_space<vmem_shared>>) target_semaphore(%arg13 : memref<!tpu.dma_semaphore, #tpu.memory_space<semaphore_mem>>)
      %dma_wait3A_370 = arith.constant 0 : i32
      %dma_wait3A_371 = arith.constant 0 : i32
      %dma_wait3A_372 = arith.constant 0 : i32
      %dma_wait3A_373 = tpu.memref_slice %arg9[%arg1, %dma_wait3A_370, %dma_wait3A_371, %dma_wait3A_372] : memref<16x3x8x2048xf32, #tpu.memory_space<vmem_shared>> -> memref<1x1x8x2048xf32, #tpu.memory_space<vmem_shared>>
      %dma_wait3A_374 = tpu.memref_squeeze %dma_wait3A_373 : memref<1x1x8x2048xf32, #tpu.memory_space<vmem_shared>> -> memref<8x2048xf32, #tpu.memory_space<vmem_shared>>
      %dma_wait3A_375 = arith.constant 0 : i32
      %dma_wait3A_376 = arith.constant 0 : i32
      %dma_wait3A_377 = tpu.memref_slice %arg9[%arg1, %dma_wait3A_370, %dma_wait3A_375, %dma_wait3A_376] : memref<16x3x8x2048xf32, #tpu.memory_space<vmem_shared>> -> memref<1x1x8x2048xf32, #tpu.memory_space<vmem_shared>>
      %dma_wait3A_378 = tpu.memref_squeeze %dma_wait3A_377 : memref<1x1x8x2048xf32, #tpu.memory_space<vmem_shared>> -> memref<8x2048xf32, #tpu.memory_space<vmem_shared>>
      tpu.wait_dma2 semaphore(%arg13 : memref<!tpu.dma_semaphore, #tpu.memory_space<semaphore_mem>>) src(%arg6 : memref<8x2048xf32, #tpu.memory_space<vmem>>) dst(%dma_wait3A_378 : memref<8x2048xf32, #tpu.memory_space<vmem_shared>>)
      %mul3A_379 = arith.constant 8 : i32
      %mul3A_380 = arith.muli %add3A_346, %mul3A_379 : i32
      %add3A_381 = arith.addi %mul3A_2, %mul3A_380 : i32
      %dma_start3A_382 = arith.constant 0 : i32
      %dma_start3A_383 = arith.constant 0 : i32
      %dma_start3A_384 = tpu.memref_slice %arg4[%add3A_381, %dma_start3A_383] : memref<16384x2048xf32, #tpu.memory_space<hbm>> -> memref<8x2048xf32, #tpu.memory_space<hbm>>
      %dma_start3A_385 = arith.constant 0 : i32
      %dma_start3A_386 = arith.constant 0 : i32
      %dma_start3A_387 = tpu.memref_slice %arg9[%arg1, %dma_start3A_382, %dma_start3A_385, %dma_start3A_386] : memref<16x3x8x2048xf32, #tpu.memory_space<vmem_shared>> -> memref<1x1x8x2048xf32, #tpu.memory_space<vmem_shared>>
      %dma_start3A_388 = tpu.memref_squeeze %dma_start3A_387 : memref<1x1x8x2048xf32, #tpu.memory_space<vmem_shared>> -> memref<8x2048xf32, #tpu.memory_space<vmem_shared>>
      tpu.enqueue_dma source(%dma_start3A_388 : memref<8x2048xf32, #tpu.memory_space<vmem_shared>>) target(%dma_start3A_384 : memref<8x2048xf32, #tpu.memory_space<hbm>>) target_semaphore(%arg16 : memref<!tpu.dma_semaphore, #tpu.memory_space<semaphore_mem>>)
      %add3A_389 = arith.constant 3 : i32
      %add3A_390 = arith.addi %add3A_346, %add3A_389 : i32
      %dma_start3A_391 = arith.constant 0 : i32
      %dma_start3A_392 = tpu.memref_slice %arg5[%add3A_390, %dma_start3A_391] : memref<64x8xi32, #tpu.memory_space<vmem>> -> memref<1x8xi32, #tpu.memory_space<vmem>>
      %dma_start3A_393 = tpu.memref_squeeze %dma_start3A_392 : memref<1x8xi32, #tpu.memory_space<vmem>> -> memref<8xi32, #tpu.memory_space<vmem>>
      %dma_start3A_394 = arith.constant 0 : i32
      %dma_start3A_395 = arith.constant 0 : i32
      %dma_start3A_396 = tpu.memref_slice %arg2[%dma_start3A_394, %dma_start3A_395] : memref<32002x2048xf32, #tpu.memory_space<hbm>> -> memref<32002x2048xf32, #tpu.memory_space<hbm>>
      tpu.enqueue_indirect_dma source(%dma_start3A_396 : memref<32002x2048xf32, #tpu.memory_space<hbm>>) target(%arg6 : memref<8x2048xf32, #tpu.memory_space<vmem>>) offsets(%dma_start3A_393 : memref<8xi32, #tpu.memory_space<vmem>>) semaphore(%arg10 : memref<!tpu.dma_semaphore, #tpu.memory_space<semaphore_mem>>)
      %mul3A_397 = arith.constant 3 : i32
      %mul3A_398 = arith.muli %mul3A_397, %scan3A_342 : i32
      %add3A_399 = arith.constant 1 : i32
      %add3A_400 = arith.addi %mul3A_398, %add3A_399 : i32
      %dma_wait3A_401 = arith.constant 1 : i32
      %dma_wait3A_402 = arith.constant 0 : i32
      %dma_wait3A_403 = tpu.memref_slice %arg4[%mul3A_2, %dma_wait3A_402] : memref<16384x2048xf32, #tpu.memory_space<hbm>> -> memref<8x2048xf32, #tpu.memory_space<hbm>>
      %dma_wait3A_404 = arith.constant 0 : i32
      %dma_wait3A_405 = arith.constant 0 : i32
      %dma_wait3A_406 = tpu.memref_slice %arg9[%arg1, %dma_wait3A_401, %dma_wait3A_404, %dma_wait3A_405] : memref<16x3x8x2048xf32, #tpu.memory_space<vmem_shared>> -> memref<1x1x8x2048xf32, #tpu.memory_space<vmem_shared>>
      %dma_wait3A_407 = tpu.memref_squeeze %dma_wait3A_406 : memref<1x1x8x2048xf32, #tpu.memory_space<vmem_shared>> -> memref<8x2048xf32, #tpu.memory_space<vmem_shared>>
      tpu.wait_dma2 semaphore(%arg17 : memref<!tpu.dma_semaphore, #tpu.memory_space<semaphore_mem>>) src(%dma_wait3A_407 : memref<8x2048xf32, #tpu.memory_space<vmem_shared>>) dst(%dma_wait3A_403 : memref<8x2048xf32, #tpu.memory_space<hbm>>)
      %dma_wait3A_408 = arith.constant 0 : i32
      %dma_wait3A_409 = arith.constant 0 : i32
      %dma_wait3A_410 = tpu.memref_slice %arg5[%dma_wait3A_408, %dma_wait3A_409] : memref<64x8xi32, #tpu.memory_space<vmem>> -> memref<1x8xi32, #tpu.memory_space<vmem>>
      %dma_wait3A_411 = tpu.memref_squeeze %dma_wait3A_410 : memref<1x8xi32, #tpu.memory_space<vmem>> -> memref<8xi32, #tpu.memory_space<vmem>>
      %dma_wait3A_412 = arith.constant 0 : i32
      %dma_wait3A_413 = arith.constant 0 : i32
      %dma_wait3A_414 = tpu.memref_slice %arg2[%dma_wait3A_412, %dma_wait3A_413] : memref<32002x2048xf32, #tpu.memory_space<hbm>> -> memref<32002x2048xf32, #tpu.memory_space<hbm>>
      tpu.wait_indirect_dma semaphore(%arg11 : memref<!tpu.dma_semaphore, #tpu.memory_space<semaphore_mem>>) src(%dma_wait3A_414 : memref<32002x2048xf32, #tpu.memory_space<hbm>>) dst(%arg7 : memref<8x2048xf32, #tpu.memory_space<vmem>>)
      %dma_start3A_415 = arith.constant 1 : i32
      %dma_start3A_416 = arith.constant 0 : i32
      %dma_start3A_417 = arith.constant 0 : i32
      %dma_start3A_418 = tpu.memref_slice %arg9[%arg1, %dma_start3A_415, %dma_start3A_416, %dma_start3A_417] : memref<16x3x8x2048xf32, #tpu.memory_space<vmem_shared>> -> memref<1x1x8x2048xf32, #tpu.memory_space<vmem_shared>>
      %dma_start3A_419 = tpu.memref_squeeze %dma_start3A_418 : memref<1x1x8x2048xf32, #tpu.memory_space<vmem_shared>> -> memref<8x2048xf32, #tpu.memory_space<vmem_shared>>
      %dma_start3A_420 = arith.constant 0 : i32
      %dma_start3A_421 = arith.constant 0 : i32
      %dma_start3A_422 = tpu.memref_slice %arg9[%arg1, %dma_start3A_415, %dma_start3A_420, %dma_start3A_421] : memref<16x3x8x2048xf32, #tpu.memory_space<vmem_shared>> -> memref<1x1x8x2048xf32, #tpu.memory_space<vmem_shared>>
      %dma_start3A_423 = tpu.memref_squeeze %dma_start3A_422 : memref<1x1x8x2048xf32, #tpu.memory_space<vmem_shared>> -> memref<8x2048xf32, #tpu.memory_space<vmem_shared>>
      tpu.enqueue_dma source(%arg7 : memref<8x2048xf32, #tpu.memory_space<vmem>>) target(%dma_start3A_423 : memref<8x2048xf32, #tpu.memory_space<vmem_shared>>) target_semaphore(%arg14 : memref<!tpu.dma_semaphore, #tpu.memory_space<semaphore_mem>>)
      %dma_wait3A_424 = arith.constant 1 : i32
      %dma_wait3A_425 = arith.constant 0 : i32
      %dma_wait3A_426 = arith.constant 0 : i32
      %dma_wait3A_427 = tpu.memref_slice %arg9[%arg1, %dma_wait3A_424, %dma_wait3A_425, %dma_wait3A_426] : memref<16x3x8x2048xf32, #tpu.memory_space<vmem_shared>> -> memref<1x1x8x2048xf32, #tpu.memory_space<vmem_shared>>
      %dma_wait3A_428 = tpu.memref_squeeze %dma_wait3A_427 : memref<1x1x8x2048xf32, #tpu.memory_space<vmem_shared>> -> memref<8x2048xf32, #tpu.memory_space<vmem_shared>>
      %dma_wait3A_429 = arith.constant 0 : i32
      %dma_wait3A_430 = arith.constant 0 : i32
      %dma_wait3A_431 = tpu.memref_slice %arg9[%arg1, %dma_wait3A_424, %dma_wait3A_429, %dma_wait3A_430] : memref<16x3x8x2048xf32, #tpu.memory_space<vmem_shared>> -> memref<1x1x8x2048xf32, #tpu.memory_space<vmem_shared>>
      %dma_wait3A_432 = tpu.memref_squeeze %dma_wait3A_431 : memref<1x1x8x2048xf32, #tpu.memory_space<vmem_shared>> -> memref<8x2048xf32, #tpu.memory_space<vmem_shared>>
      tpu.wait_dma2 semaphore(%arg14 : memref<!tpu.dma_semaphore, #tpu.memory_space<semaphore_mem>>) src(%arg7 : memref<8x2048xf32, #tpu.memory_space<vmem>>) dst(%dma_wait3A_432 : memref<8x2048xf32, #tpu.memory_space<vmem_shared>>)
      %mul3A_433 = arith.constant 8 : i32
      %mul3A_434 = arith.muli %add3A_400, %mul3A_433 : i32
      %add3A_435 = arith.addi %mul3A_2, %mul3A_434 : i32
      %dma_start3A_436 = arith.constant 1 : i32
      %dma_start3A_437 = arith.constant 0 : i32
      %dma_start3A_438 = tpu.memref_slice %arg4[%add3A_435, %dma_start3A_437] : memref<16384x2048xf32, #tpu.memory_space<hbm>> -> memref<8x2048xf32, #tpu.memory_space<hbm>>
      %dma_start3A_439 = arith.constant 0 : i32
      %dma_start3A_440 = arith.constant 0 : i32
      %dma_start3A_441 = tpu.memref_slice %arg9[%arg1, %dma_start3A_436, %dma_start3A_439, %dma_start3A_440] : memref<16x3x8x2048xf32, #tpu.memory_space<vmem_shared>> -> memref<1x1x8x2048xf32, #tpu.memory_space<vmem_shared>>
      %dma_start3A_442 = tpu.memref_squeeze %dma_start3A_441 : memref<1x1x8x2048xf32, #tpu.memory_space<vmem_shared>> -> memref<8x2048xf32, #tpu.memory_space<vmem_shared>>
      tpu.enqueue_dma source(%dma_start3A_442 : memref<8x2048xf32, #tpu.memory_space<vmem_shared>>) target(%dma_start3A_438 : memref<8x2048xf32, #tpu.memory_space<hbm>>) target_semaphore(%arg17 : memref<!tpu.dma_semaphore, #tpu.memory_space<semaphore_mem>>)
      %add3A_443 = arith.constant 3 : i32
      %add3A_444 = arith.addi %add3A_400, %add3A_443 : i32
      %dma_start3A_445 = arith.constant 0 : i32
      %dma_start3A_446 = tpu.memref_slice %arg5[%add3A_444, %dma_start3A_445] : memref<64x8xi32, #tpu.memory_space<vmem>> -> memref<1x8xi32, #tpu.memory_space<vmem>>
      %dma_start3A_447 = tpu.memref_squeeze %dma_start3A_446 : memref<1x8xi32, #tpu.memory_space<vmem>> -> memref<8xi32, #tpu.memory_space<vmem>>
      %dma_start3A_448 = arith.constant 0 : i32
      %dma_start3A_449 = arith.constant 0 : i32
      %dma_start3A_450 = tpu.memref_slice %arg2[%dma_start3A_448, %dma_start3A_449] : memref<32002x2048xf32, #tpu.memory_space<hbm>> -> memref<32002x2048xf32, #tpu.memory_space<hbm>>
      tpu.enqueue_indirect_dma source(%dma_start3A_450 : memref<32002x2048xf32, #tpu.memory_space<hbm>>) target(%arg7 : memref<8x2048xf32, #tpu.memory_space<vmem>>) offsets(%dma_start3A_447 : memref<8xi32, #tpu.memory_space<vmem>>) semaphore(%arg11 : memref<!tpu.dma_semaphore, #tpu.memory_space<semaphore_mem>>)
      %mul3A_451 = arith.constant 3 : i32
      %mul3A_452 = arith.muli %mul3A_451, %scan3A_342 : i32
      %add3A_453 = arith.constant 2 : i32
      %add3A_454 = arith.addi %mul3A_452, %add3A_453 : i32
      %dma_wait3A_455 = arith.constant 2 : i32
      %dma_wait3A_456 = arith.constant 0 : i32
      %dma_wait3A_457 = tpu.memref_slice %arg4[%mul3A_2, %dma_wait3A_456] : memref<16384x2048xf32, #tpu.memory_space<hbm>> -> memref<8x2048xf32, #tpu.memory_space<hbm>>
      %dma_wait3A_458 = arith.constant 0 : i32
      %dma_wait3A_459 = arith.constant 0 : i32
      %dma_wait3A_460 = tpu.memref_slice %arg9[%arg1, %dma_wait3A_455, %dma_wait3A_458, %dma_wait3A_459] : memref<16x3x8x2048xf32, #tpu.memory_space<vmem_shared>> -> memref<1x1x8x2048xf32, #tpu.memory_space<vmem_shared>>
      %dma_wait3A_461 = tpu.memref_squeeze %dma_wait3A_460 : memref<1x1x8x2048xf32, #tpu.memory_space<vmem_shared>> -> memref<8x2048xf32, #tpu.memory_space<vmem_shared>>
      tpu.wait_dma2 semaphore(%arg18 : memref<!tpu.dma_semaphore, #tpu.memory_space<semaphore_mem>>) src(%dma_wait3A_461 : memref<8x2048xf32, #tpu.memory_space<vmem_shared>>) dst(%dma_wait3A_457 : memref<8x2048xf32, #tpu.memory_space<hbm>>)
      %dma_wait3A_462 = arith.constant 0 : i32
      %dma_wait3A_463 = arith.constant 0 : i32
      %dma_wait3A_464 = tpu.memref_slice %arg5[%dma_wait3A_462, %dma_wait3A_463] : memref<64x8xi32, #tpu.memory_space<vmem>> -> memref<1x8xi32, #tpu.memory_space<vmem>>
      %dma_wait3A_465 = tpu.memref_squeeze %dma_wait3A_464 : memref<1x8xi32, #tpu.memory_space<vmem>> -> memref<8xi32, #tpu.memory_space<vmem>>
      %dma_wait3A_466 = arith.constant 0 : i32
      %dma_wait3A_467 = arith.constant 0 : i32
      %dma_wait3A_468 = tpu.memref_slice %arg2[%dma_wait3A_466, %dma_wait3A_467] : memref<32002x2048xf32, #tpu.memory_space<hbm>> -> memref<32002x2048xf32, #tpu.memory_space<hbm>>
      tpu.wait_indirect_dma semaphore(%arg12 : memref<!tpu.dma_semaphore, #tpu.memory_space<semaphore_mem>>) src(%dma_wait3A_468 : memref<32002x2048xf32, #tpu.memory_space<hbm>>) dst(%arg8 : memref<8x2048xf32, #tpu.memory_space<vmem>>)
      %dma_start3A_469 = arith.constant 2 : i32
      %dma_start3A_470 = arith.constant 0 : i32
      %dma_start3A_471 = arith.constant 0 : i32
      %dma_start3A_472 = tpu.memref_slice %arg9[%arg1, %dma_start3A_469, %dma_start3A_470, %dma_start3A_471] : memref<16x3x8x2048xf32, #tpu.memory_space<vmem_shared>> -> memref<1x1x8x2048xf32, #tpu.memory_space<vmem_shared>>
      %dma_start3A_473 = tpu.memref_squeeze %dma_start3A_472 : memref<1x1x8x2048xf32, #tpu.memory_space<vmem_shared>> -> memref<8x2048xf32, #tpu.memory_space<vmem_shared>>
      %dma_start3A_474 = arith.constant 0 : i32
      %dma_start3A_475 = arith.constant 0 : i32
      %dma_start3A_476 = tpu.memref_slice %arg9[%arg1, %dma_start3A_469, %dma_start3A_474, %dma_start3A_475] : memref<16x3x8x2048xf32, #tpu.memory_space<vmem_shared>> -> memref<1x1x8x2048xf32, #tpu.memory_space<vmem_shared>>
      %dma_start3A_477 = tpu.memref_squeeze %dma_start3A_476 : memref<1x1x8x2048xf32, #tpu.memory_space<vmem_shared>> -> memref<8x2048xf32, #tpu.memory_space<vmem_shared>>
      tpu.enqueue_dma source(%arg8 : memref<8x2048xf32, #tpu.memory_space<vmem>>) target(%dma_start3A_477 : memref<8x2048xf32, #tpu.memory_space<vmem_shared>>) target_semaphore(%arg15 : memref<!tpu.dma_semaphore, #tpu.memory_space<semaphore_mem>>)
      %dma_wait3A_478 = arith.constant 2 : i32
      %dma_wait3A_479 = arith.constant 0 : i32
      %dma_wait3A_480 = arith.constant 0 : i32
      %dma_wait3A_481 = tpu.memref_slice %arg9[%arg1, %dma_wait3A_478, %dma_wait3A_479, %dma_wait3A_480] : memref<16x3x8x2048xf32, #tpu.memory_space<vmem_shared>> -> memref<1x1x8x2048xf32, #tpu.memory_space<vmem_shared>>
      %dma_wait3A_482 = tpu.memref_squeeze %dma_wait3A_481 : memref<1x1x8x2048xf32, #tpu.memory_space<vmem_shared>> -> memref<8x2048xf32, #tpu.memory_space<vmem_shared>>
      %dma_wait3A_483 = arith.constant 0 : i32
      %dma_wait3A_484 = arith.constant 0 : i32
      %dma_wait3A_485 = tpu.memref_slice %arg9[%arg1, %dma_wait3A_478, %dma_wait3A_483, %dma_wait3A_484] : memref<16x3x8x2048xf32, #tpu.memory_space<vmem_shared>> -> memref<1x1x8x2048xf32, #tpu.memory_space<vmem_shared>>
      %dma_wait3A_486 = tpu.memref_squeeze %dma_wait3A_485 : memref<1x1x8x2048xf32, #tpu.memory_space<vmem_shared>> -> memref<8x2048xf32, #tpu.memory_space<vmem_shared>>
      tpu.wait_dma2 semaphore(%arg15 : memref<!tpu.dma_semaphore, #tpu.memory_space<semaphore_mem>>) src(%arg8 : memref<8x2048xf32, #tpu.memory_space<vmem>>) dst(%dma_wait3A_486 : memref<8x2048xf32, #tpu.memory_space<vmem_shared>>)
      %mul3A_487 = arith.constant 8 : i32
      %mul3A_488 = arith.muli %add3A_454, %mul3A_487 : i32
      %add3A_489 = arith.addi %mul3A_2, %mul3A_488 : i32
      %dma_start3A_490 = arith.constant 2 : i32
      %dma_start3A_491 = arith.constant 0 : i32
      %dma_start3A_492 = tpu.memref_slice %arg4[%add3A_489, %dma_start3A_491] : memref<16384x2048xf32, #tpu.memory_space<hbm>> -> memref<8x2048xf32, #tpu.memory_space<hbm>>
      %dma_start3A_493 = arith.constant 0 : i32
      %dma_start3A_494 = arith.constant 0 : i32
      %dma_start3A_495 = tpu.memref_slice %arg9[%arg1, %dma_start3A_490, %dma_start3A_493, %dma_start3A_494] : memref<16x3x8x2048xf32, #tpu.memory_space<vmem_shared>> -> memref<1x1x8x2048xf32, #tpu.memory_space<vmem_shared>>
      %dma_start3A_496 = tpu.memref_squeeze %dma_start3A_495 : memref<1x1x8x2048xf32, #tpu.memory_space<vmem_shared>> -> memref<8x2048xf32, #tpu.memory_space<vmem_shared>>
      tpu.enqueue_dma source(%dma_start3A_496 : memref<8x2048xf32, #tpu.memory_space<vmem_shared>>) target(%dma_start3A_492 : memref<8x2048xf32, #tpu.memory_space<hbm>>) target_semaphore(%arg18 : memref<!tpu.dma_semaphore, #tpu.memory_space<semaphore_mem>>)
      %add3A_497 = arith.constant 3 : i32
      %add3A_498 = arith.addi %add3A_454, %add3A_497 : i32
      %dma_start3A_499 = arith.constant 0 : i32
      %dma_start3A_500 = tpu.memref_slice %arg5[%add3A_498, %dma_start3A_499] : memref<64x8xi32, #tpu.memory_space<vmem>> -> memref<1x8xi32, #tpu.memory_space<vmem>>
      %dma_start3A_501 = tpu.memref_squeeze %dma_start3A_500 : memref<1x8xi32, #tpu.memory_space<vmem>> -> memref<8xi32, #tpu.memory_space<vmem>>
      %dma_start3A_502 = arith.constant 0 : i32
      %dma_start3A_503 = arith.constant 0 : i32
      %dma_start3A_504 = tpu.memref_slice %arg2[%dma_start3A_502, %dma_start3A_503] : memref<32002x2048xf32, #tpu.memory_space<hbm>> -> memref<32002x2048xf32, #tpu.memory_space<hbm>>
      tpu.enqueue_indirect_dma source(%dma_start3A_504 : memref<32002x2048xf32, #tpu.memory_space<hbm>>) target(%arg8 : memref<8x2048xf32, #tpu.memory_space<vmem>>) offsets(%dma_start3A_501 : memref<8xi32, #tpu.memory_space<vmem>>) semaphore(%arg12 : memref<!tpu.dma_semaphore, #tpu.memory_space<semaphore_mem>>)
    }
    %scan3A_149 = arith.constant 19 : i32
    %dma_wait3A_150 = arith.constant 0 : i32
    %dma_wait3A_151 = arith.constant 0 : i32
    %dma_wait3A_152 = tpu.memref_slice %arg4[%mul3A_2, %dma_wait3A_151] : memref<16384x2048xf32, #tpu.memory_space<hbm>> -> memref<8x2048xf32, #tpu.memory_space<hbm>>
    %dma_wait3A_153 = arith.constant 0 : i32
    %dma_wait3A_154 = arith.constant 0 : i32
    %dma_wait3A_155 = tpu.memref_slice %arg9[%arg1, %dma_wait3A_150, %dma_wait3A_153, %dma_wait3A_154] : memref<16x3x8x2048xf32, #tpu.memory_space<vmem_shared>> -> memref<1x1x8x2048xf32, #tpu.memory_space<vmem_shared>>
    %dma_wait3A_156 = tpu.memref_squeeze %dma_wait3A_155 : memref<1x1x8x2048xf32, #tpu.memory_space<vmem_shared>> -> memref<8x2048xf32, #tpu.memory_space<vmem_shared>>
    tpu.wait_dma2 semaphore(%arg16 : memref<!tpu.dma_semaphore, #tpu.memory_space<semaphore_mem>>) src(%dma_wait3A_156 : memref<8x2048xf32, #tpu.memory_space<vmem_shared>>) dst(%dma_wait3A_152 : memref<8x2048xf32, #tpu.memory_space<hbm>>)
    %dma_wait3A_157 = arith.constant 0 : i32
    %dma_wait3A_158 = arith.constant 0 : i32
    %dma_wait3A_159 = tpu.memref_slice %arg5[%dma_wait3A_157, %dma_wait3A_158] : memref<64x8xi32, #tpu.memory_space<vmem>> -> memref<1x8xi32, #tpu.memory_space<vmem>>
    %dma_wait3A_160 = tpu.memref_squeeze %dma_wait3A_159 : memref<1x8xi32, #tpu.memory_space<vmem>> -> memref<8xi32, #tpu.memory_space<vmem>>
    %dma_wait3A_161 = arith.constant 0 : i32
    %dma_wait3A_162 = arith.constant 0 : i32
    %dma_wait3A_163 = tpu.memref_slice %arg2[%dma_wait3A_161, %dma_wait3A_162] : memref<32002x2048xf32, #tpu.memory_space<hbm>> -> memref<32002x2048xf32, #tpu.memory_space<hbm>>
    tpu.wait_indirect_dma semaphore(%arg10 : memref<!tpu.dma_semaphore, #tpu.memory_space<semaphore_mem>>) src(%dma_wait3A_163 : memref<32002x2048xf32, #tpu.memory_space<hbm>>) dst(%arg6 : memref<8x2048xf32, #tpu.memory_space<vmem>>)
    %dma_start3A_164 = arith.constant 0 : i32
    %dma_start3A_165 = arith.constant 0 : i32
    %dma_start3A_166 = arith.constant 0 : i32
    %dma_start3A_167 = tpu.memref_slice %arg9[%arg1, %dma_start3A_164, %dma_start3A_165, %dma_start3A_166] : memref<16x3x8x2048xf32, #tpu.memory_space<vmem_shared>> -> memref<1x1x8x2048xf32, #tpu.memory_space<vmem_shared>>
    %dma_start3A_168 = tpu.memref_squeeze %dma_start3A_167 : memref<1x1x8x2048xf32, #tpu.memory_space<vmem_shared>> -> memref<8x2048xf32, #tpu.memory_space<vmem_shared>>
    %dma_start3A_169 = arith.constant 0 : i32
    %dma_start3A_170 = arith.constant 0 : i32
    %dma_start3A_171 = tpu.memref_slice %arg9[%arg1, %dma_start3A_164, %dma_start3A_169, %dma_start3A_170] : memref<16x3x8x2048xf32, #tpu.memory_space<vmem_shared>> -> memref<1x1x8x2048xf32, #tpu.memory_space<vmem_shared>>
    %dma_start3A_172 = tpu.memref_squeeze %dma_start3A_171 : memref<1x1x8x2048xf32, #tpu.memory_space<vmem_shared>> -> memref<8x2048xf32, #tpu.memory_space<vmem_shared>>
    tpu.enqueue_dma source(%arg6 : memref<8x2048xf32, #tpu.memory_space<vmem>>) target(%dma_start3A_172 : memref<8x2048xf32, #tpu.memory_space<vmem_shared>>) target_semaphore(%arg13 : memref<!tpu.dma_semaphore, #tpu.memory_space<semaphore_mem>>)
    %dma_wait3A_173 = arith.constant 0 : i32
    %dma_wait3A_174 = arith.constant 0 : i32
    %dma_wait3A_175 = arith.constant 0 : i32
    %dma_wait3A_176 = tpu.memref_slice %arg9[%arg1, %dma_wait3A_173, %dma_wait3A_174, %dma_wait3A_175] : memref<16x3x8x2048xf32, #tpu.memory_space<vmem_shared>> -> memref<1x1x8x2048xf32, #tpu.memory_space<vmem_shared>>
    %dma_wait3A_177 = tpu.memref_squeeze %dma_wait3A_176 : memref<1x1x8x2048xf32, #tpu.memory_space<vmem_shared>> -> memref<8x2048xf32, #tpu.memory_space<vmem_shared>>
    %dma_wait3A_178 = arith.constant 0 : i32
    %dma_wait3A_179 = arith.constant 0 : i32
    %dma_wait3A_180 = tpu.memref_slice %arg9[%arg1, %dma_wait3A_173, %dma_wait3A_178, %dma_wait3A_179] : memref<16x3x8x2048xf32, #tpu.memory_space<vmem_shared>> -> memref<1x1x8x2048xf32, #tpu.memory_space<vmem_shared>>
    %dma_wait3A_181 = tpu.memref_squeeze %dma_wait3A_180 : memref<1x1x8x2048xf32, #tpu.memory_space<vmem_shared>> -> memref<8x2048xf32, #tpu.memory_space<vmem_shared>>
    tpu.wait_dma2 semaphore(%arg13 : memref<!tpu.dma_semaphore, #tpu.memory_space<semaphore_mem>>) src(%arg6 : memref<8x2048xf32, #tpu.memory_space<vmem>>) dst(%dma_wait3A_181 : memref<8x2048xf32, #tpu.memory_space<vmem_shared>>)
    %add3A_182 = arith.constant 480 : i32
    %add3A_183 = arith.addi %mul3A_2, %add3A_182 : i32
    %dma_start3A_184 = arith.constant 0 : i32
    %dma_start3A_185 = arith.constant 0 : i32
    %dma_start3A_186 = tpu.memref_slice %arg4[%add3A_183, %dma_start3A_185] : memref<16384x2048xf32, #tpu.memory_space<hbm>> -> memref<8x2048xf32, #tpu.memory_space<hbm>>
    %dma_start3A_187 = arith.constant 0 : i32
    %dma_start3A_188 = arith.constant 0 : i32
    %dma_start3A_189 = tpu.memref_slice %arg9[%arg1, %dma_start3A_184, %dma_start3A_187, %dma_start3A_188] : memref<16x3x8x2048xf32, #tpu.memory_space<vmem_shared>> -> memref<1x1x8x2048xf32, #tpu.memory_space<vmem_shared>>
    %dma_start3A_190 = tpu.memref_squeeze %dma_start3A_189 : memref<1x1x8x2048xf32, #tpu.memory_space<vmem_shared>> -> memref<8x2048xf32, #tpu.memory_space<vmem_shared>>
    tpu.enqueue_dma source(%dma_start3A_190 : memref<8x2048xf32, #tpu.memory_space<vmem_shared>>) target(%dma_start3A_186 : memref<8x2048xf32, #tpu.memory_space<hbm>>) target_semaphore(%arg16 : memref<!tpu.dma_semaphore, #tpu.memory_space<semaphore_mem>>)
    %dma_start3A_191 = arith.constant 63 : i32
    %dma_start3A_192 = arith.constant 0 : i32
    %dma_start3A_193 = tpu.memref_slice %arg5[%dma_start3A_191, %dma_start3A_192] : memref<64x8xi32, #tpu.memory_space<vmem>> -> memref<1x8xi32, #tpu.memory_space<vmem>>
    %dma_start3A_194 = tpu.memref_squeeze %dma_start3A_193 : memref<1x8xi32, #tpu.memory_space<vmem>> -> memref<8xi32, #tpu.memory_space<vmem>>
    %dma_start3A_195 = arith.constant 0 : i32
    %dma_start3A_196 = arith.constant 0 : i32
    %dma_start3A_197 = tpu.memref_slice %arg2[%dma_start3A_195, %dma_start3A_196] : memref<32002x2048xf32, #tpu.memory_space<hbm>> -> memref<32002x2048xf32, #tpu.memory_space<hbm>>
    tpu.enqueue_indirect_dma source(%dma_start3A_197 : memref<32002x2048xf32, #tpu.memory_space<hbm>>) target(%arg6 : memref<8x2048xf32, #tpu.memory_space<vmem>>) offsets(%dma_start3A_194 : memref<8xi32, #tpu.memory_space<vmem>>) semaphore(%arg10 : memref<!tpu.dma_semaphore, #tpu.memory_space<semaphore_mem>>)
    %dma_wait3A_198 = arith.constant 1 : i32
    %dma_wait3A_199 = arith.constant 0 : i32
    %dma_wait3A_200 = tpu.memref_slice %arg4[%mul3A_2, %dma_wait3A_199] : memref<16384x2048xf32, #tpu.memory_space<hbm>> -> memref<8x2048xf32, #tpu.memory_space<hbm>>
    %dma_wait3A_201 = arith.constant 0 : i32
    %dma_wait3A_202 = arith.constant 0 : i32
    %dma_wait3A_203 = tpu.memref_slice %arg9[%arg1, %dma_wait3A_198, %dma_wait3A_201, %dma_wait3A_202] : memref<16x3x8x2048xf32, #tpu.memory_space<vmem_shared>> -> memref<1x1x8x2048xf32, #tpu.memory_space<vmem_shared>>
    %dma_wait3A_204 = tpu.memref_squeeze %dma_wait3A_203 : memref<1x1x8x2048xf32, #tpu.memory_space<vmem_shared>> -> memref<8x2048xf32, #tpu.memory_space<vmem_shared>>
    tpu.wait_dma2 semaphore(%arg17 : memref<!tpu.dma_semaphore, #tpu.memory_space<semaphore_mem>>) src(%dma_wait3A_204 : memref<8x2048xf32, #tpu.memory_space<vmem_shared>>) dst(%dma_wait3A_200 : memref<8x2048xf32, #tpu.memory_space<hbm>>)
    %dma_wait3A_205 = arith.constant 0 : i32
    %dma_wait3A_206 = arith.constant 0 : i32
    %dma_wait3A_207 = tpu.memref_slice %arg5[%dma_wait3A_205, %dma_wait3A_206] : memref<64x8xi32, #tpu.memory_space<vmem>> -> memref<1x8xi32, #tpu.memory_space<vmem>>
    %dma_wait3A_208 = tpu.memref_squeeze %dma_wait3A_207 : memref<1x8xi32, #tpu.memory_space<vmem>> -> memref<8xi32, #tpu.memory_space<vmem>>
    %dma_wait3A_209 = arith.constant 0 : i32
    %dma_wait3A_210 = arith.constant 0 : i32
    %dma_wait3A_211 = tpu.memref_slice %arg2[%dma_wait3A_209, %dma_wait3A_210] : memref<32002x2048xf32, #tpu.memory_space<hbm>> -> memref<32002x2048xf32, #tpu.memory_space<hbm>>
    tpu.wait_indirect_dma semaphore(%arg11 : memref<!tpu.dma_semaphore, #tpu.memory_space<semaphore_mem>>) src(%dma_wait3A_211 : memref<32002x2048xf32, #tpu.memory_space<hbm>>) dst(%arg7 : memref<8x2048xf32, #tpu.memory_space<vmem>>)
    %dma_start3A_212 = arith.constant 1 : i32
    %dma_start3A_213 = arith.constant 0 : i32
    %dma_start3A_214 = arith.constant 0 : i32
    %dma_start3A_215 = tpu.memref_slice %arg9[%arg1, %dma_start3A_212, %dma_start3A_213, %dma_start3A_214] : memref<16x3x8x2048xf32, #tpu.memory_space<vmem_shared>> -> memref<1x1x8x2048xf32, #tpu.memory_space<vmem_shared>>
    %dma_start3A_216 = tpu.memref_squeeze %dma_start3A_215 : memref<1x1x8x2048xf32, #tpu.memory_space<vmem_shared>> -> memref<8x2048xf32, #tpu.memory_space<vmem_shared>>
    %dma_start3A_217 = arith.constant 0 : i32
    %dma_start3A_218 = arith.constant 0 : i32
    %dma_start3A_219 = tpu.memref_slice %arg9[%arg1, %dma_start3A_212, %dma_start3A_217, %dma_start3A_218] : memref<16x3x8x2048xf32, #tpu.memory_space<vmem_shared>> -> memref<1x1x8x2048xf32, #tpu.memory_space<vmem_shared>>
    %dma_start3A_220 = tpu.memref_squeeze %dma_start3A_219 : memref<1x1x8x2048xf32, #tpu.memory_space<vmem_shared>> -> memref<8x2048xf32, #tpu.memory_space<vmem_shared>>
    tpu.enqueue_dma source(%arg7 : memref<8x2048xf32, #tpu.memory_space<vmem>>) target(%dma_start3A_220 : memref<8x2048xf32, #tpu.memory_space<vmem_shared>>) target_semaphore(%arg14 : memref<!tpu.dma_semaphore, #tpu.memory_space<semaphore_mem>>)
    %dma_wait3A_221 = arith.constant 1 : i32
    %dma_wait3A_222 = arith.constant 0 : i32
    %dma_wait3A_223 = arith.constant 0 : i32
    %dma_wait3A_224 = tpu.memref_slice %arg9[%arg1, %dma_wait3A_221, %dma_wait3A_222, %dma_wait3A_223] : memref<16x3x8x2048xf32, #tpu.memory_space<vmem_shared>> -> memref<1x1x8x2048xf32, #tpu.memory_space<vmem_shared>>
    %dma_wait3A_225 = tpu.memref_squeeze %dma_wait3A_224 : memref<1x1x8x2048xf32, #tpu.memory_space<vmem_shared>> -> memref<8x2048xf32, #tpu.memory_space<vmem_shared>>
    %dma_wait3A_226 = arith.constant 0 : i32
    %dma_wait3A_227 = arith.constant 0 : i32
    %dma_wait3A_228 = tpu.memref_slice %arg9[%arg1, %dma_wait3A_221, %dma_wait3A_226, %dma_wait3A_227] : memref<16x3x8x2048xf32, #tpu.memory_space<vmem_shared>> -> memref<1x1x8x2048xf32, #tpu.memory_space<vmem_shared>>
    %dma_wait3A_229 = tpu.memref_squeeze %dma_wait3A_228 : memref<1x1x8x2048xf32, #tpu.memory_space<vmem_shared>> -> memref<8x2048xf32, #tpu.memory_space<vmem_shared>>
    tpu.wait_dma2 semaphore(%arg14 : memref<!tpu.dma_semaphore, #tpu.memory_space<semaphore_mem>>) src(%arg7 : memref<8x2048xf32, #tpu.memory_space<vmem>>) dst(%dma_wait3A_229 : memref<8x2048xf32, #tpu.memory_space<vmem_shared>>)
    %add3A_230 = arith.constant 488 : i32
    %add3A_231 = arith.addi %mul3A_2, %add3A_230 : i32
    %dma_start3A_232 = arith.constant 1 : i32
    %dma_start3A_233 = arith.constant 0 : i32
    %dma_start3A_234 = tpu.memref_slice %arg4[%add3A_231, %dma_start3A_233] : memref<16384x2048xf32, #tpu.memory_space<hbm>> -> memref<8x2048xf32, #tpu.memory_space<hbm>>
    %dma_start3A_235 = arith.constant 0 : i32
    %dma_start3A_236 = arith.constant 0 : i32
    %dma_start3A_237 = tpu.memref_slice %arg9[%arg1, %dma_start3A_232, %dma_start3A_235, %dma_start3A_236] : memref<16x3x8x2048xf32, #tpu.memory_space<vmem_shared>> -> memref<1x1x8x2048xf32, #tpu.memory_space<vmem_shared>>
    %dma_start3A_238 = tpu.memref_squeeze %dma_start3A_237 : memref<1x1x8x2048xf32, #tpu.memory_space<vmem_shared>> -> memref<8x2048xf32, #tpu.memory_space<vmem_shared>>
    tpu.enqueue_dma source(%dma_start3A_238 : memref<8x2048xf32, #tpu.memory_space<vmem_shared>>) target(%dma_start3A_234 : memref<8x2048xf32, #tpu.memory_space<hbm>>) target_semaphore(%arg17 : memref<!tpu.dma_semaphore, #tpu.memory_space<semaphore_mem>>)
    %dma_wait3A_239 = arith.constant 2 : i32
    %dma_wait3A_240 = arith.constant 0 : i32
    %dma_wait3A_241 = tpu.memref_slice %arg4[%mul3A_2, %dma_wait3A_240] : memref<16384x2048xf32, #tpu.memory_space<hbm>> -> memref<8x2048xf32, #tpu.memory_space<hbm>>
    %dma_wait3A_242 = arith.constant 0 : i32
    %dma_wait3A_243 = arith.constant 0 : i32
    %dma_wait3A_244 = tpu.memref_slice %arg9[%arg1, %dma_wait3A_239, %dma_wait3A_242, %dma_wait3A_243] : memref<16x3x8x2048xf32, #tpu.memory_space<vmem_shared>> -> memref<1x1x8x2048xf32, #tpu.memory_space<vmem_shared>>
    %dma_wait3A_245 = tpu.memref_squeeze %dma_wait3A_244 : memref<1x1x8x2048xf32, #tpu.memory_space<vmem_shared>> -> memref<8x2048xf32, #tpu.memory_space<vmem_shared>>
    tpu.wait_dma2 semaphore(%arg18 : memref<!tpu.dma_semaphore, #tpu.memory_space<semaphore_mem>>) src(%dma_wait3A_245 : memref<8x2048xf32, #tpu.memory_space<vmem_shared>>) dst(%dma_wait3A_241 : memref<8x2048xf32, #tpu.memory_space<hbm>>)
    %dma_wait3A_246 = arith.constant 0 : i32
    %dma_wait3A_247 = arith.constant 0 : i32
    %dma_wait3A_248 = tpu.memref_slice %arg5[%dma_wait3A_246, %dma_wait3A_247] : memref<64x8xi32, #tpu.memory_space<vmem>> -> memref<1x8xi32, #tpu.memory_space<vmem>>
    %dma_wait3A_249 = tpu.memref_squeeze %dma_wait3A_248 : memref<1x8xi32, #tpu.memory_space<vmem>> -> memref<8xi32, #tpu.memory_space<vmem>>
    %dma_wait3A_250 = arith.constant 0 : i32
    %dma_wait3A_251 = arith.constant 0 : i32
    %dma_wait3A_252 = tpu.memref_slice %arg2[%dma_wait3A_250, %dma_wait3A_251] : memref<32002x2048xf32, #tpu.memory_space<hbm>> -> memref<32002x2048xf32, #tpu.memory_space<hbm>>
    tpu.wait_indirect_dma semaphore(%arg12 : memref<!tpu.dma_semaphore, #tpu.memory_space<semaphore_mem>>) src(%dma_wait3A_252 : memref<32002x2048xf32, #tpu.memory_space<hbm>>) dst(%arg8 : memref<8x2048xf32, #tpu.memory_space<vmem>>)
    %dma_start3A_253 = arith.constant 2 : i32
    %dma_start3A_254 = arith.constant 0 : i32
    %dma_start3A_255 = arith.constant 0 : i32
    %dma_start3A_256 = tpu.memref_slice %arg9[%arg1, %dma_start3A_253, %dma_start3A_254, %dma_start3A_255] : memref<16x3x8x2048xf32, #tpu.memory_space<vmem_shared>> -> memref<1x1x8x2048xf32, #tpu.memory_space<vmem_shared>>
    %dma_start3A_257 = tpu.memref_squeeze %dma_start3A_256 : memref<1x1x8x2048xf32, #tpu.memory_space<vmem_shared>> -> memref<8x2048xf32, #tpu.memory_space<vmem_shared>>
    %dma_start3A_258 = arith.constant 0 : i32
    %dma_start3A_259 = arith.constant 0 : i32
    %dma_start3A_260 = tpu.memref_slice %arg9[%arg1, %dma_start3A_253, %dma_start3A_258, %dma_start3A_259] : memref<16x3x8x2048xf32, #tpu.memory_space<vmem_shared>> -> memref<1x1x8x2048xf32, #tpu.memory_space<vmem_shared>>
    %dma_start3A_261 = tpu.memref_squeeze %dma_start3A_260 : memref<1x1x8x2048xf32, #tpu.memory_space<vmem_shared>> -> memref<8x2048xf32, #tpu.memory_space<vmem_shared>>
    tpu.enqueue_dma source(%arg8 : memref<8x2048xf32, #tpu.memory_space<vmem>>) target(%dma_start3A_261 : memref<8x2048xf32, #tpu.memory_space<vmem_shared>>) target_semaphore(%arg15 : memref<!tpu.dma_semaphore, #tpu.memory_space<semaphore_mem>>)
    %dma_wait3A_262 = arith.constant 2 : i32
    %dma_wait3A_263 = arith.constant 0 : i32
    %dma_wait3A_264 = arith.constant 0 : i32
    %dma_wait3A_265 = tpu.memref_slice %arg9[%arg1, %dma_wait3A_262, %dma_wait3A_263, %dma_wait3A_264] : memref<16x3x8x2048xf32, #tpu.memory_space<vmem_shared>> -> memref<1x1x8x2048xf32, #tpu.memory_space<vmem_shared>>
    %dma_wait3A_266 = tpu.memref_squeeze %dma_wait3A_265 : memref<1x1x8x2048xf32, #tpu.memory_space<vmem_shared>> -> memref<8x2048xf32, #tpu.memory_space<vmem_shared>>
    %dma_wait3A_267 = arith.constant 0 : i32
    %dma_wait3A_268 = arith.constant 0 : i32
    %dma_wait3A_269 = tpu.memref_slice %arg9[%arg1, %dma_wait3A_262, %dma_wait3A_267, %dma_wait3A_268] : memref<16x3x8x2048xf32, #tpu.memory_space<vmem_shared>> -> memref<1x1x8x2048xf32, #tpu.memory_space<vmem_shared>>
    %dma_wait3A_270 = tpu.memref_squeeze %dma_wait3A_269 : memref<1x1x8x2048xf32, #tpu.memory_space<vmem_shared>> -> memref<8x2048xf32, #tpu.memory_space<vmem_shared>>
    tpu.wait_dma2 semaphore(%arg15 : memref<!tpu.dma_semaphore, #tpu.memory_space<semaphore_mem>>) src(%arg8 : memref<8x2048xf32, #tpu.memory_space<vmem>>) dst(%dma_wait3A_270 : memref<8x2048xf32, #tpu.memory_space<vmem_shared>>)
    %add3A_271 = arith.constant 496 : i32
    %add3A_272 = arith.addi %mul3A_2, %add3A_271 : i32
    %dma_start3A_273 = arith.constant 2 : i32
    %dma_start3A_274 = arith.constant 0 : i32
    %dma_start3A_275 = tpu.memref_slice %arg4[%add3A_272, %dma_start3A_274] : memref<16384x2048xf32, #tpu.memory_space<hbm>> -> memref<8x2048xf32, #tpu.memory_space<hbm>>
    %dma_start3A_276 = arith.constant 0 : i32
    %dma_start3A_277 = arith.constant 0 : i32
    %dma_start3A_278 = tpu.memref_slice %arg9[%arg1, %dma_start3A_273, %dma_start3A_276, %dma_start3A_277] : memref<16x3x8x2048xf32, #tpu.memory_space<vmem_shared>> -> memref<1x1x8x2048xf32, #tpu.memory_space<vmem_shared>>
    %dma_start3A_279 = tpu.memref_squeeze %dma_start3A_278 : memref<1x1x8x2048xf32, #tpu.memory_space<vmem_shared>> -> memref<8x2048xf32, #tpu.memory_space<vmem_shared>>
    tpu.enqueue_dma source(%dma_start3A_279 : memref<8x2048xf32, #tpu.memory_space<vmem_shared>>) target(%dma_start3A_275 : memref<8x2048xf32, #tpu.memory_space<hbm>>) target_semaphore(%arg18 : memref<!tpu.dma_semaphore, #tpu.memory_space<semaphore_mem>>)
    %dma_wait3A_280 = arith.constant 0 : i32
    %dma_wait3A_281 = arith.constant 0 : i32
    %dma_wait3A_282 = tpu.memref_slice %arg4[%mul3A_2, %dma_wait3A_281] : memref<16384x2048xf32, #tpu.memory_space<hbm>> -> memref<8x2048xf32, #tpu.memory_space<hbm>>
    %dma_wait3A_283 = arith.constant 0 : i32
    %dma_wait3A_284 = arith.constant 0 : i32
    %dma_wait3A_285 = tpu.memref_slice %arg9[%arg1, %dma_wait3A_280, %dma_wait3A_283, %dma_wait3A_284] : memref<16x3x8x2048xf32, #tpu.memory_space<vmem_shared>> -> memref<1x1x8x2048xf32, #tpu.memory_space<vmem_shared>>
    %dma_wait3A_286 = tpu.memref_squeeze %dma_wait3A_285 : memref<1x1x8x2048xf32, #tpu.memory_space<vmem_shared>> -> memref<8x2048xf32, #tpu.memory_space<vmem_shared>>
    tpu.wait_dma2 semaphore(%arg16 : memref<!tpu.dma_semaphore, #tpu.memory_space<semaphore_mem>>) src(%dma_wait3A_286 : memref<8x2048xf32, #tpu.memory_space<vmem_shared>>) dst(%dma_wait3A_282 : memref<8x2048xf32, #tpu.memory_space<hbm>>)
    %dma_wait3A_287 = arith.constant 0 : i32
    %dma_wait3A_288 = arith.constant 0 : i32
    %dma_wait3A_289 = tpu.memref_slice %arg5[%dma_wait3A_287, %dma_wait3A_288] : memref<64x8xi32, #tpu.memory_space<vmem>> -> memref<1x8xi32, #tpu.memory_space<vmem>>
    %dma_wait3A_290 = tpu.memref_squeeze %dma_wait3A_289 : memref<1x8xi32, #tpu.memory_space<vmem>> -> memref<8xi32, #tpu.memory_space<vmem>>
    %dma_wait3A_291 = arith.constant 0 : i32
    %dma_wait3A_292 = arith.constant 0 : i32
    %dma_wait3A_293 = tpu.memref_slice %arg2[%dma_wait3A_291, %dma_wait3A_292] : memref<32002x2048xf32, #tpu.memory_space<hbm>> -> memref<32002x2048xf32, #tpu.memory_space<hbm>>
    tpu.wait_indirect_dma semaphore(%arg10 : memref<!tpu.dma_semaphore, #tpu.memory_space<semaphore_mem>>) src(%dma_wait3A_293 : memref<32002x2048xf32, #tpu.memory_space<hbm>>) dst(%arg6 : memref<8x2048xf32, #tpu.memory_space<vmem>>)
    %dma_start3A_294 = arith.constant 0 : i32
    %dma_start3A_295 = arith.constant 0 : i32
    %dma_start3A_296 = arith.constant 0 : i32
    %dma_start3A_297 = tpu.memref_slice %arg9[%arg1, %dma_start3A_294, %dma_start3A_295, %dma_start3A_296] : memref<16x3x8x2048xf32, #tpu.memory_space<vmem_shared>> -> memref<1x1x8x2048xf32, #tpu.memory_space<vmem_shared>>
    %dma_start3A_298 = tpu.memref_squeeze %dma_start3A_297 : memref<1x1x8x2048xf32, #tpu.memory_space<vmem_shared>> -> memref<8x2048xf32, #tpu.memory_space<vmem_shared>>
    %dma_start3A_299 = arith.constant 0 : i32
    %dma_start3A_300 = arith.constant 0 : i32
    %dma_start3A_301 = tpu.memref_slice %arg9[%arg1, %dma_start3A_294, %dma_start3A_299, %dma_start3A_300] : memref<16x3x8x2048xf32, #tpu.memory_space<vmem_shared>> -> memref<1x1x8x2048xf32, #tpu.memory_space<vmem_shared>>
    %dma_start3A_302 = tpu.memref_squeeze %dma_start3A_301 : memref<1x1x8x2048xf32, #tpu.memory_space<vmem_shared>> -> memref<8x2048xf32, #tpu.memory_space<vmem_shared>>
    tpu.enqueue_dma source(%arg6 : memref<8x2048xf32, #tpu.memory_space<vmem>>) target(%dma_start3A_302 : memref<8x2048xf32, #tpu.memory_space<vmem_shared>>) target_semaphore(%arg13 : memref<!tpu.dma_semaphore, #tpu.memory_space<semaphore_mem>>)
    %dma_wait3A_303 = arith.constant 0 : i32
    %dma_wait3A_304 = arith.constant 0 : i32
    %dma_wait3A_305 = arith.constant 0 : i32
    %dma_wait3A_306 = tpu.memref_slice %arg9[%arg1, %dma_wait3A_303, %dma_wait3A_304, %dma_wait3A_305] : memref<16x3x8x2048xf32, #tpu.memory_space<vmem_shared>> -> memref<1x1x8x2048xf32, #tpu.memory_space<vmem_shared>>
    %dma_wait3A_307 = tpu.memref_squeeze %dma_wait3A_306 : memref<1x1x8x2048xf32, #tpu.memory_space<vmem_shared>> -> memref<8x2048xf32, #tpu.memory_space<vmem_shared>>
    %dma_wait3A_308 = arith.constant 0 : i32
    %dma_wait3A_309 = arith.constant 0 : i32
    %dma_wait3A_310 = tpu.memref_slice %arg9[%arg1, %dma_wait3A_303, %dma_wait3A_308, %dma_wait3A_309] : memref<16x3x8x2048xf32, #tpu.memory_space<vmem_shared>> -> memref<1x1x8x2048xf32, #tpu.memory_space<vmem_shared>>
    %dma_wait3A_311 = tpu.memref_squeeze %dma_wait3A_310 : memref<1x1x8x2048xf32, #tpu.memory_space<vmem_shared>> -> memref<8x2048xf32, #tpu.memory_space<vmem_shared>>
    tpu.wait_dma2 semaphore(%arg13 : memref<!tpu.dma_semaphore, #tpu.memory_space<semaphore_mem>>) src(%arg6 : memref<8x2048xf32, #tpu.memory_space<vmem>>) dst(%dma_wait3A_311 : memref<8x2048xf32, #tpu.memory_space<vmem_shared>>)
    %add3A_312 = arith.constant 504 : i32
    %add3A_313 = arith.addi %mul3A_2, %add3A_312 : i32
    %dma_start3A_314 = arith.constant 0 : i32
    %dma_start3A_315 = arith.constant 0 : i32
    %dma_start3A_316 = tpu.memref_slice %arg4[%add3A_313, %dma_start3A_315] : memref<16384x2048xf32, #tpu.memory_space<hbm>> -> memref<8x2048xf32, #tpu.memory_space<hbm>>
    %dma_start3A_317 = arith.constant 0 : i32
    %dma_start3A_318 = arith.constant 0 : i32
    %dma_start3A_319 = tpu.memref_slice %arg9[%arg1, %dma_start3A_314, %dma_start3A_317, %dma_start3A_318] : memref<16x3x8x2048xf32, #tpu.memory_space<vmem_shared>> -> memref<1x1x8x2048xf32, #tpu.memory_space<vmem_shared>>
    %dma_start3A_320 = tpu.memref_squeeze %dma_start3A_319 : memref<1x1x8x2048xf32, #tpu.memory_space<vmem_shared>> -> memref<8x2048xf32, #tpu.memory_space<vmem_shared>>
    tpu.enqueue_dma source(%dma_start3A_320 : memref<8x2048xf32, #tpu.memory_space<vmem_shared>>) target(%dma_start3A_316 : memref<8x2048xf32, #tpu.memory_space<hbm>>) target_semaphore(%arg16 : memref<!tpu.dma_semaphore, #tpu.memory_space<semaphore_mem>>)
    %dma_wait3A_321 = arith.constant 1 : i32
    %dma_wait3A_322 = arith.constant 0 : i32
    %dma_wait3A_323 = tpu.memref_slice %arg4[%mul3A_2, %dma_wait3A_322] : memref<16384x2048xf32, #tpu.memory_space<hbm>> -> memref<8x2048xf32, #tpu.memory_space<hbm>>
    %dma_wait3A_324 = arith.constant 0 : i32
    %dma_wait3A_325 = arith.constant 0 : i32
    %dma_wait3A_326 = tpu.memref_slice %arg9[%arg1, %dma_wait3A_321, %dma_wait3A_324, %dma_wait3A_325] : memref<16x3x8x2048xf32, #tpu.memory_space<vmem_shared>> -> memref<1x1x8x2048xf32, #tpu.memory_space<vmem_shared>>
    %dma_wait3A_327 = tpu.memref_squeeze %dma_wait3A_326 : memref<1x1x8x2048xf32, #tpu.memory_space<vmem_shared>> -> memref<8x2048xf32, #tpu.memory_space<vmem_shared>>
    tpu.wait_dma2 semaphore(%arg17 : memref<!tpu.dma_semaphore, #tpu.memory_space<semaphore_mem>>) src(%dma_wait3A_327 : memref<8x2048xf32, #tpu.memory_space<vmem_shared>>) dst(%dma_wait3A_323 : memref<8x2048xf32, #tpu.memory_space<hbm>>)
    %dma_wait3A_328 = arith.constant 2 : i32
    %dma_wait3A_329 = arith.constant 0 : i32
    %dma_wait3A_330 = tpu.memref_slice %arg4[%mul3A_2, %dma_wait3A_329] : memref<16384x2048xf32, #tpu.memory_space<hbm>> -> memref<8x2048xf32, #tpu.memory_space<hbm>>
    %dma_wait3A_331 = arith.constant 0 : i32
    %dma_wait3A_332 = arith.constant 0 : i32
    %dma_wait3A_333 = tpu.memref_slice %arg9[%arg1, %dma_wait3A_328, %dma_wait3A_331, %dma_wait3A_332] : memref<16x3x8x2048xf32, #tpu.memory_space<vmem_shared>> -> memref<1x1x8x2048xf32, #tpu.memory_space<vmem_shared>>
    %dma_wait3A_334 = tpu.memref_squeeze %dma_wait3A_333 : memref<1x1x8x2048xf32, #tpu.memory_space<vmem_shared>> -> memref<8x2048xf32, #tpu.memory_space<vmem_shared>>
    tpu.wait_dma2 semaphore(%arg18 : memref<!tpu.dma_semaphore, #tpu.memory_space<semaphore_mem>>) src(%dma_wait3A_334 : memref<8x2048xf32, #tpu.memory_space<vmem_shared>>) dst(%dma_wait3A_330 : memref<8x2048xf32, #tpu.memory_space<hbm>>)
    %dma_wait3A_335 = arith.constant 0 : i32
    %dma_wait3A_336 = arith.constant 0 : i32
    %dma_wait3A_337 = tpu.memref_slice %arg4[%mul3A_2, %dma_wait3A_336] : memref<16384x2048xf32, #tpu.memory_space<hbm>> -> memref<8x2048xf32, #tpu.memory_space<hbm>>
    %dma_wait3A_338 = arith.constant 0 : i32
    %dma_wait3A_339 = arith.constant 0 : i32
    %dma_wait3A_340 = tpu.memref_slice %arg9[%arg1, %dma_wait3A_335, %dma_wait3A_338, %dma_wait3A_339] : memref<16x3x8x2048xf32, #tpu.memory_space<vmem_shared>> -> memref<1x1x8x2048xf32, #tpu.memory_space<vmem_shared>>
    %dma_wait3A_341 = tpu.memref_squeeze %dma_wait3A_340 : memref<1x1x8x2048xf32, #tpu.memory_space<vmem_shared>> -> memref<8x2048xf32, #tpu.memory_space<vmem_shared>>
    tpu.wait_dma2 semaphore(%arg16 : memref<!tpu.dma_semaphore, #tpu.memory_space<semaphore_mem>>) src(%dma_wait3A_341 : memref<8x2048xf32, #tpu.memory_space<vmem_shared>>) dst(%dma_wait3A_337 : memref<8x2048xf32, #tpu.memory_space<hbm>>)
    return
  }
}

</mosaic_0001>

<sc_bundles>
// kernel: kernel.3.cloned.1.call-start
scs
__scs_entry_jumppad:
0x0: {  	(pc) =	sbr.rel $0x88, $3  }
0x1: {  	(tag) =	ssettag $0x0;
	lr =	simm.s32 $0x1  }
0x2: {  	[smem:$0x3F9F] =	sst lr;
	_ =	strace $0xD0000000  }
0x3: {  	_ = 	snop  }
0x4: {  	_ = 	snop  }
0x5: {  	_ = 	snop  }
0x6: {  	_ = 	snop  }
0x7: {  	_ = 	snop  }
__scs_overlays_trampoline_lowered:
0x8: {  	[smem:$0x3FAE] =	sst s0  }
0x9: {  	[smem:$0x3FAF] =	sst s1  }
0xa: {  	[smem:$0x3FB0] =	sst s2  }
0xb: {  	[smem:$0x3FB1] =	sst s3  }
0xc: {  	[smem:$0x3FB2] =	sst s4  }
0xd: {  	[smem:$0x3FB3] =	sst s5  }
0xe: {  	[smem:$0x3FB4] =	sst s6  }
0xf: {  	[smem:$0x3FB5] =	sst s7  }
0x10: {  	[smem:$0x3FB6] =	sst s8  }
0x11: {  	[smem:$0x3FB7] =	sst s9;
	s0 =	simm.s32 @!p0 $0x0  }
0x12: {  	s1 =	sld [smem:$0x3F9D];
	s0 =	simm.s32 @p0 $0x1  }
0x13: {  	[smem:$0x3FB8] =	sst s0;
	s0 =	simm.s32 @!p1 $0x0  }
0x14: {  	s2 =	sld [smem:$0x3F9C];
	s0 =	simm.s32 @p1 $0x1  }
0x15: {  	[smem:$0x3FB9] =	sst s0;
	s0 =	simm.s32 @!p2 $0x0  }
0x16: {  	s3 =	sld [smem:$0x3FDB];
	s0 =	simm.s32 @p2 $0x1  }
0x17: {  	s4 =	simm.s32 $0x1BF5;
	[smem:$0x3FBB] =	sst s0  }
0x18: {  	s0 =	sld [smem:$0x3F9E];
	_ =	swait.ge [sflag:s4], $0x0  }
0x19: {  	s7 =	sld [smem:$0x3F9F]  }
0x1a: {  	s8 =	sadd.s32 $0xFFFFE003, lr  }
0x1b: {  	s9 =	sadd.s32 $0xFFFFFEF7, lr;
	s5 =	simm.s32 $0xFFFFFFFF;
	p2 =	slt.u32 s8, $0xFFFFF086  }
0x1c: {  	p1 =	slt.u32 s9, $0xF7A;
	s5 =	simm.s32 @!p2 $0x0  }
0x1d: {  	s5 =	simm.s32 @p1 $0x1;
	p0 =	seq.s32 s7, s2  }
0x1e: {  	s7 =	smul.u32 @!p0 $0xF7A, s2;
	p2 =	seq.s32 @!p0 s5, $0x0  }
0x1f: {  	s9 =	smul.u32 $0xF7A, s1;
	s8 =	simm.s32 @!p0 $0x1BF5;
	p2 =	por !p2, p0  }
0x20: {  	[sflag:s8] =	ssyncset.s32 @!p0 $0xFFFFF086;
	s6 =	sadd.s32 @!p0 s3, s7;
	s7 =	simm.s32 @!p0 $0x108  }
0x21: {  	s3 =	sadd.s32 s3, s9;
	s6 =	sadd.s32 @!p0 $0x88, s6;
	s7 =	simm.s32 @p2 $0x1082  }
0x22: {  	[simem:s7], [sflag:s8] =	dma.local @!p0 [hbm:s6], $0xF7A  }
0x23: {  	s9 =	sor.u32 $0xD0000000, s2;
	s6 =	simm.s32 $0x108;
	_ =	swait.ge @!p0 [sflag:s8], $0x0  }
0x24: {  	s3 =	sadd.s32 $0x88, s3;
	s6 =	simm.s32 @!p1 $0x1082;
	[sflag:s4] =	ssyncset.s32 $0xFFFFF086  }
0x25: {  	[simem:s6], [sflag:s4] =	dma.local [hbm:s3], $0xF7A  }
0x26: {  	[smem:$0x3F9F] =	sst s1;
	(tag) =	ssettag s2;
	_ =	strace s9  }
0x27: {  	s1 =	sld [smem:$0x3FAF]  }
0x28: {  	s2 =	sld [smem:$0x3FB0]  }
0x29: {  	s4 =	sld [smem:$0x3FB2]  }
0x2a: {  	p0 =	seq.s32 s5, $0x0;
	s5 =	sld [smem:$0x3FB3]  }
0x2b: {  	s6 =	sld [smem:$0x3FB4]  }
0x2c: {  	s7 =	sld [smem:$0x3FB5]  }
0x2d: {  	s3 =	simm.s32 $0x108;
	s8 =	sld [smem:$0x3FB6]  }
0x2e: {  	s3 =	simm.s32 @!p0 $0x1082;
	s9 =	sld [smem:$0x3FB7]  }
0x2f: {  	lr =	sadd.s32 s0, s3;
	s0 =	sld [smem:$0x3FAE]  }
0x30: {  	s3 =	sld [smem:$0x3FB1]  }
0x31: {  	[smem:$0x3FBA] =	sst s10  }
0x32: {  	s10 =	sld [smem:$0x3FB8];
	_ =	sdelay $0x3  }
0x33: {  	p0 =	seq.s32 s10, $0x1;
	s10 =	sld [smem:$0x3FBA];
	_ =	sdelay $0x3  }
0x34: {  	[smem:$0x3FBA] =	sst s10  }
0x35: {  	s10 =	sld [smem:$0x3FB9];
	_ =	sdelay $0x3  }
0x36: {  	p1 =	seq.s32 s10, $0x1;
	s10 =	sld [smem:$0x3FBA];
	_ =	sdelay $0x3  }
0x37: {  	[smem:$0x3FBA] =	sst s10  }
0x38: {  	s10 =	sld [smem:$0x3FBB]  }
0x39: {  	_ = 	snop;
	(pc) =	sbr.ind lr, $3  }
0x3a: {  	_ = 	snop  }
0x3b: {  	_ = 	snop  }
0x3c: {  	p2 =	seq.s32 s10, $0x1;
	s10 =	sld [smem:$0x3FBA]  }
0x3d: {  	_ =	shalt  }
0x3e: {  	_ =	shalt  }
0x3f: {  	_ =	shalt  }
0x40: {  	_ =	shalt  }
0x41: {  	_ =	shalt  }
0x42: {  	_ =	shalt  }
0x43: {  	_ =	shalt  }
0x44: {  	_ =	shalt  }
0x45: {  	_ =	shalt  }
0x46: {  	_ =	shalt  }
0x47: {  	_ =	shalt  }
0x48: {  	_ =	shalt  }
0x49: {  	_ =	shalt  }
0x4a: {  	_ =	shalt  }
0x4b: {  	_ =	shalt  }
0x4c: {  	_ =	shalt  }
0x4d: {  	_ =	shalt  }
0x4e: {  	_ =	shalt  }
0x4f: {  	_ =	shalt  }
0x50: {  	_ =	shalt  }
0x51: {  	_ =	shalt  }
0x52: {  	_ =	shalt  }
0x53: {  	_ =	shalt  }
0x54: {  	_ =	shalt  }
0x55: {  	_ =	shalt  }
0x56: {  	_ =	shalt  }
0x57: {  	_ =	shalt  }
0x58: {  	_ =	shalt  }
0x59: {  	_ =	shalt  }
0x5a: {  	_ =	shalt  }
0x5b: {  	_ =	shalt  }
0x5c: {  	_ =	shalt  }
0x5d: {  	_ =	shalt  }
0x5e: {  	_ =	shalt  }
0x5f: {  	_ =	shalt  }
0x60: {  	_ =	shalt  }
0x61: {  	_ =	shalt  }
0x62: {  	_ =	shalt  }
0x63: {  	_ =	shalt  }
0x64: {  	_ =	shalt  }
0x65: {  	_ =	shalt  }
0x66: {  	_ =	shalt  }
0x67: {  	_ =	shalt  }
0x68: {  	_ =	shalt  }
0x69: {  	_ =	shalt  }
0x6a: {  	_ =	shalt  }
0x6b: {  	_ =	shalt  }
0x6c: {  	_ =	shalt  }
0x6d: {  	_ =	shalt  }
0x6e: {  	_ =	shalt  }
0x6f: {  	_ =	shalt  }
0x70: {  	_ =	shalt  }
0x71: {  	_ =	shalt  }
0x72: {  	_ =	shalt  }
0x73: {  	_ =	shalt  }
0x74: {  	_ =	shalt  }
0x75: {  	_ =	shalt  }
0x76: {  	_ =	shalt  }
0x77: {  	_ =	shalt  }
0x78: {  	_ =	shalt  }
0x79: {  	_ =	shalt  }
0x7a: {  	_ =	shalt  }
0x7b: {  	_ =	shalt  }
0x7c: {  	_ =	shalt  }
0x7d: {  	_ =	shalt  }
0x7e: {  	_ =	shalt  }
0x7f: {  	_ =	shalt  }
0x80: {  	_ =	shalt  }
0x81: {  	_ =	shalt  }
0x82: {  	_ =	shalt  }
0x83: {  	_ =	shalt  }
0x84: {  	_ =	shalt  }
0x85: {  	_ =	shalt  }
0x86: {  	_ =	shalt  }
0x87: {  	_ =	shalt  }
.Lfunc_end0:
.L_simem_size_0:
called_computation_lowered:
.L_overlay_start_0:
0x88: {  	s2 =	sld [smem:$0x3FD9]  }
0x89: {  	s3 =	sld [smem:$0x3FFE];
	_ =	sdelay $0x1  }
0x8a: {  	s1 =	srdreg.scid  }
0x8b: {  	s0 =	sand.u32 $0x1, s1  }
0x8c: {  	s17 =	sshll.u32 s0, $0xA;
	s2 =	sadd.s32 s3, s2  }
0x8d: {  	s2 =	sadd.s32 s2, s17  }
0x8e: {  	[smem:$0x3FC6] =	sst s2  }
0x8f: {  	_ = 	snop  }
0x90: {  	s2 =	sld [smem:$0x3FC8]  }
0x91: {  	s18 =	sld [smem:$0x3FD0];
	(tm) =	ssettm $0x1  }
0x92: {  	s4 =	sld [smem:$0x3FFB];
	_ =	sdelay $0x3  }
0x93: {  	_ =	strace s4  }
0x94: {  	s4 =	sld [smem:$0x3FFC];
	_ =	sdelay $0x3  }
0x95: {  	_ =	strace s4  }
0x96: {  	s4 =	sld [smem:$0x3FFD];
	_ =	sdelay $0x3  }
0x97: {  	_ =	strace s4  }
0x98: {  	_ =	strace $0x8FFFFFFF  }
0x99: {  	s19 =	sld [smem:$0x3FDB];
	_ =	sdelay $0x1  }
0x9a: {  	s5 =	simm.s32 $_scs_section_size  }
0x9b: {  	s6 =	simm.s32 $_size__tile_overlayer_lowered;
	s7 =	simm.s32 $_tile_overlayer_lowered  }
0x9c: {  	s22 =	simm.s32 $0x1BFF;
	s21 =	sshll.u32 s7, $0x1;
	s4 =	sadd.s32 s5, s19  }
0x9d: {  	s8 =	simm.s32 $0x0;
	s20 =	sshll.u32 s6, $0x1;
	s6 =	sadd.s32 s21, s4  }
0x9e: {  	[timem:s8], [sflag:s22] =	dma.local [hbm:s6], s20  }
0x9f: {  	_ =	swait.ge [sflag:s22], s20  }
0xa0: {  	s5 =	ssub.s32 $0x0, s20;
	[sflag:s22] =	ssyncset.done $0x0  }
0xa1: {  	[sflag:s22] =	ssyncadd.s32 s5;
	_ =	sdelay $0x1  }
0xa2: {  	s23 =	simm.s32 $0x1B8B  }
0xa3: {  	_ =	swait.ge [sflag:s23], $0x1  }
0xa4: {  	[sflag:s23] =	ssyncset.done $0x0  }
0xa5: {  	s25 =	simm.s32 $0x1B8E;
	s24 =	sld [smem:$0x3FFE];
	[sflag:s23] =	ssyncadd.s32 $0xFFFFFFFF  }
0xa6: {  	s26 =	simm.s32 $execute0_lowered;
	[smem:$0x3FD2] =	sst s25  }
0xa7: {  	s6 =	sshll.u32 s26, $0x1;
	_ =	strace $0x80000046;
	[dreg:$0x1] =	wrdreg $0xFFFFFFFF  }
0xa8: {  	s28 =	simm.s32 $_size_execute0_lowered;
	s4 =	sadd.s32 s4, s6;
	[dreg:$0x0] =	wrdreg $0x0  }
0xa9: {  	s6 =	sshll.u32 s28, $0x1;
	[dreg:$0x2] =	wrdreg s4  }
0xaa: {  	[dreg:$0x3] =	wrdreg s6  }
0xab: {  	[dreg:$0x4] =	wrdreg $0xC0  }
0xac: {  	_ =	task [dreg:s8], $0x5FFFF  }
0xad: {  	[dreg:$0x1] =	wrdreg $0xFFFFFFFF  }
0xae: {  	[dreg:$0x0] =	wrdreg $0x60  }
0xaf: {  	[dreg:$0x2] =	wrdreg s2  }
0xb0: {  	[dreg:$0x3] =	wrdreg s24  }
0xb1: {  	[dreg:$0x4] =	wrdreg s18  }
0xb2: {  	[dreg:$0x5] =	wrdreg $0xE0000  }
0xb3: {  	[dreg:$0x6] =	wrdreg $0x9  }
0xb4: {  	_ =	task.clear_ibuf [dreg:s8], $0x7FFFF;
	_ =	strace $0x90000046  }
0xb5: {  	s29 =	simm.s32 $0x9;
	_ =	strace $0x80000048  }
0xb6: {  	_ =	swait.ge [sflag:s29], $0x1  }
0xb7: {  	[sflag:s29] =	ssyncadd.s32 $0xFFFFFFFF  }
0xb8: {  	_ =	strace $0x90000048  }
0xb9: {  	_ =	sfence  }
0xba: {  	s30 =	sld [smem:$0x0];
	_ =	sdelay $0x2  }
0xbb: {  	s31 =	sshll.u32 s1, $0xD;
	s1 =	sshrl.u32 s1, $0x2  }
0xbc: {  	s3 =	sand.u32 $0x4000, s31;
	s1 =	sadd.s32 s1, s30  }
0xbd: {  	s0 =	sor.u32 s3, s0;
	s1 =	sshll.u32 s1, $0x11  }
0xbe: {  	s0 =	sor.u32 s1, s0  }
0xbf: {  	s0 =	sadd.s32 $0x8F2B, s0  }
0xc0: {  	[sflag:s0] =	ssyncadd.remote.s32 $0x1  }
0xc1: {  	_ =	sfence.sel $0xFFFF  }
0xc2: {  	[dreg:$0x0] =	wrdreg $0xFFFFFFFF;
	(pc) =	sbr.abs _section_cstart, $3  }
0xc3: {  	[dreg:$0x1] =	wrdreg $0xFFFFFFFF  }
0xc4: {  	_ =	task.clear_ibuf [dreg:s8], $0x2FFFF;
	_ =	strace $0x9FFFFFFF  }
0xc5: {  	(tm) =	ssettm $0x7FFFFFFF  }
tec
execute0_lowered:
.L_overlay_start_1:
0x0: {  	(tag) =	ssettag $0x1  }
0x1: {  	s1 =	rddreg [dreg:$0x0]  }
0x2: {  	s0 =	rddreg [dreg:$0x1]  }
0x3: {  	s2 =	rddreg [dreg:$0x2];
	s3 =	srdreg.scid  }
0x4: {  	s11 =	stileid.u32;
	s4 =	rddreg [dreg:$0x3];
	s28 =	simm.s32 $0x2  }
0x5: {  	s29 =	simm.s32 $0x5;
	s30 =	simm.s32 $0x6;
	s31 =	simm.s32 $0x8  }
0x6: {  	s13 =	sand.u32 $0x1, s3;
	s5 =	sshll.u32 s11, $0x1;
	s3 =	simm.s32 $0x0  }
0x7: {  	s10 =	smul.u32 $0x30000, s11;
	s7 =	sadd.s32 $0x300, s1;
	s8 =	sadd.s32 $0x400, s1  }
0x8: {  	s22 =	sshll.u32 s11, $0x12;
	s11 =	simm.s32 $0x6800;
	s12 =	sor.u32 s13, s5  }
0x9: {  	[smem:$0x7FF] =	sst s3;
	s6 =	ssub.s32 $0x2, s13;
	s24 =	sshll.u32 s13, $0x11  }
0xa: {  	s13 =	simm.s32 $0x7000;
	s5 =	sshll.u32 s12, $0xA;
	s15 =	sshll.u32 s12, $0x11  }
0xb: {  	_ =	strace $0x80000047;
	s0 =	sadd.s32 s5, s0;
	s15 =	sadd.s32 s2, s15  }
0xc: {  	s9 =	sshrl.u32 s6, $0x1;
	s0 =	sadd.s32 $0x400, s0;
	[dreg:$0x8] =	wrdreg s15  }
0xd: {  	s12 =	sadd.s32 $0x700, s1;
	s17 =	sadd.s32 $0x800, s15;
	[dreg:$0x6] =	wrdreg s0  }
0xe: {  	s14 =	ssub.s32 s6, s9;
	s19 =	sadd.s32 $0x1000, s15;
	[dreg:$0xa] =	wrdreg s17  }
0xf: {  	s5 =	sadd.s32 $0x100, s1;
	s20 =	sadd.s32 $0x1E000, s15;
	[dreg:$0xc] =	wrdreg s19  }
0x10: {  	s6 =	sadd.s32 $0x200, s1;
	s21 =	sadd.s32 $0x1E800, s15;
	[dreg:$0xd] =	wrdreg s20  }
0x11: {  	s9 =	sadd.s32 $0x500, s1;
	s23 =	sadd.s32 $0x1F000, s15;
	[dreg:$0xe] =	wrdreg s21  }
0x12: {  	s25 =	sadd.s32 $0x1F800, s15;
	s26 =	smax.u32 s14, $0x1;
	[dreg:$0xf] =	wrdreg s23  }
0x13: {  	s14 =	simm.s32 $0x7800;
	s15 =	simm.s32 $0x0;
	[dreg:$0x10] =	wrdreg s25  }
0x14: {  	s0 =	sshrl.u32 s10, $0x2;
	s10 =	sadd.s32 $0x600, s1;
	[dreg:$0x11] =	wrdreg s26  }
0x15: {  	s23 =	simm.s32 $0x8000;
	s26 =	simm.s32 $0x1;
	s4 =	sadd.s32 s0, s4  }
0x16: {  	s19 =	simm.s32 $0x4;
	s16 =	sadd.s32 $0x4000, s4;
	[dreg:$0x7] =	wrdreg s4  }
0x17: {  	v0 =	vlaneseq.u32;
	s0 =	sadd.s32 s22, s2;
	s18 =	sadd.s32 $0x8000, s4;
	[dreg:$0x9] =	wrdreg s16  }
0x18: {  	v1 =	vshrl.u32 v0, $0x3;
	s20 =	simm.s32 $0x3;
	s0 =	sadd.s32 s24, s0;
	[dreg:$0xb] =	wrdreg s18  }
0x19: {  	vm0 =	vmmov $0xffff;
	v0 =	vand.u32 $0x7, v0;
	v1 =	vmul.u32 $0x8, v1;
	s21 =	simm.s32 $0x7;
	s2 =	simm.s32 $0x9;
	[dreg:$0x5] =	wrdreg s0  }
.LBB2_1:
0x1a: {  	[dreg:$0x12] =	wrdreg s15  }
0x1b: {  	s4 =	rddreg [dreg:$0x6];
	s1 =	simm.s32 $0xA  }
0x1c: {  	[tilespmem:s3], [sflag:$0xA] =	stream.linear.gather [hbm4b:s4+s3], $0x2000, $0x38;
	[tilespmem:$0x1A000] =	vst v63  }
0x1d: {  	_ =	swait.ge [sflag:s1], $0x2000  }
0x1e: {  	[sflag:s1] =	ssyncset.done $0x0  }
0x1f: {  	[sflag:s1] =	ssyncadd.s32 $0xFFFFE000  }
0x20: {  	v2 =	vld.msk [tilespmem:$0x0], $0xff;
	_ =	sdelay $0x4  }
0x21: {  	v3 =	vshll.u32 v2, $0x4  }
0x22: {  	v2 =	vand.u32 $0x7, v2;
	v3 =	vand.u32 $0xFFFFFF80, v3  }
0x23: {  	v2 =	vor.u32 v2, v3  }
0x24: {  	v2 =	vperm.xlane v2, v0;
	_ =	sdelay $0x1  }
0x25: {  	v2 =	vadd.s32 v1, v2;
	_ =	sdelay $0x3  }
0x26: {  	s22 =	simm.s32 $0x2000;
	s1 =	rddreg [dreg:$0x0]  }
0x27: {  	[tilespmem:s22], [sflag:$0x1] =	stream.indirect_vreg.gather [hbm4b:s1+s3], $0x80, v2, vm0, $0xb8;
	[tilespmem:$0x1A000] =	vst v63  }
0x28: {  	s15 =	simm.s32 $0x2800  }
0x29: {  	[tilespmem:s15], [sflag:$0x1] =	stream.indirect_vreg.gather [hbm4b:s5+s3], $0x80, v2, vm0, $0xb8;
	[tilespmem:$0x1A000] =	vst v63  }
0x2a: {  	s16 =	simm.s32 $0x3000  }
0x2b: {  	[tilespmem:s16], [sflag:$0x1] =	stream.indirect_vreg.gather [hbm4b:s6+s3], $0x80, v2, vm0, $0xb8;
	[tilespmem:$0x1A000] =	vst v63  }
0x2c: {  	s17 =	simm.s32 $0x3800  }
0x2d: {  	[tilespmem:s17], [sflag:$0x1] =	stream.indirect_vreg.gather [hbm4b:s7+s3], $0x80, v2, vm0, $0xb8;
	[tilespmem:$0x1A000] =	vst v63  }
0x2e: {  	s18 =	simm.s32 $0x4000  }
0x2f: {  	[tilespmem:s18], [sflag:$0x1] =	stream.indirect_vreg.gather [hbm4b:s8+s3], $0x80, v2, vm0, $0xb8;
	[tilespmem:$0x1A000] =	vst v63  }
0x30: {  	s25 =	simm.s32 $0x4800  }
0x31: {  	[tilespmem:s25], [sflag:$0x1] =	stream.indirect_vreg.gather [hbm4b:s9+s3], $0x80, v2, vm0, $0xb8;
	[tilespmem:$0x1A000] =	vst v63  }
0x32: {  	s0 =	simm.s32 $0x5000  }
0x33: {  	[tilespmem:s0], [sflag:$0x1] =	stream.indirect_vreg.gather [hbm4b:s10+s3], $0x80, v2, vm0, $0xb8;
	[tilespmem:$0x1A000] =	vst v63  }
0x34: {  	s4 =	simm.s32 $0x5800  }
0x35: {  	[tilespmem:s4], [sflag:$0x1] =	stream.indirect_vreg.gather [hbm4b:s12+s3], $0x80, v2, vm0, $0xb8;
	[tilespmem:$0x1A000] =	vst v63  }
0x36: {  	v2 =	vld.msk [tilespmem:$0x80], $0xff;
	_ =	sdelay $0x4  }
0x37: {  	v3 =	vshll.u32 v2, $0x4  }
0x38: {  	v2 =	vand.u32 $0x7, v2;
	v3 =	vand.u32 $0xFFFFFF80, v3  }
0x39: {  	v2 =	vor.u32 v2, v3  }
0x3a: {  	v2 =	vperm.xlane v2, v0;
	_ =	sdelay $0x1  }
0x3b: {  	v2 =	vadd.s32 v1, v2;
	_ =	sdelay $0x3  }
0x3c: {  	s0 =	simm.s32 $0x6000  }
0x3d: {  	[tilespmem:s0], [sflag:$0x2] =	stream.indirect_vreg.gather [hbm4b:s1+s3], $0x80, v2, vm0, $0xb8;
	[tilespmem:$0x1A000] =	vst v63  }
0x3e: {  	_ = 	snop  }
0x3f: {  	[tilespmem:s11], [sflag:$0x2] =	stream.indirect_vreg.gather [hbm4b:s5+s3], $0x80, v2, vm0, $0xb8;
	[tilespmem:$0x1A000] =	vst v63  }
0x40: {  	_ = 	snop  }
0x41: {  	[tilespmem:s13], [sflag:$0x2] =	stream.indirect_vreg.gather [hbm4b:s6+s3], $0x80, v2, vm0, $0xb8;
	[tilespmem:$0x1A000] =	vst v63  }
0x42: {  	_ = 	snop  }
0x43: {  	[tilespmem:s14], [sflag:$0x2] =	stream.indirect_vreg.gather [hbm4b:s7+s3], $0x80, v2, vm0, $0xb8;
	[tilespmem:$0x1A000] =	vst v63  }
0x44: {  	_ = 	snop  }
0x45: {  	[tilespmem:s23], [sflag:$0x2] =	stream.indirect_vreg.gather [hbm4b:s8+s3], $0x80, v2, vm0, $0xb8;
	[tilespmem:$0x1A000] =	vst v63  }
0x46: {  	s14 =	simm.s32 $0x8800  }
0x47: {  	[tilespmem:s14], [sflag:$0x2] =	stream.indirect_vreg.gather [hbm4b:s9+s3], $0x80, v2, vm0, $0xb8;
	[tilespmem:$0x1A000] =	vst v63  }
0x48: {  	s23 =	simm.s32 $0x9000  }
0x49: {  	[tilespmem:s23], [sflag:$0x2] =	stream.indirect_vreg.gather [hbm4b:s10+s3], $0x80, v2, vm0, $0xb8;
	[tilespmem:$0x1A000] =	vst v63  }
0x4a: {  	s24 =	simm.s32 $0x9800  }
0x4b: {  	[tilespmem:s24], [sflag:$0x2] =	stream.indirect_vreg.gather [hbm4b:s12+s3], $0x80, v2, vm0, $0xb8;
	[tilespmem:$0x1A000] =	vst v63  }
0x4c: {  	v2 =	vld.msk [tilespmem:$0x100], $0xff;
	_ =	sdelay $0x4  }
0x4d: {  	v3 =	vshll.u32 v2, $0x4  }
0x4e: {  	v2 =	vand.u32 $0x7, v2;
	v3 =	vand.u32 $0xFFFFFF80, v3  }
0x4f: {  	v2 =	vor.u32 v2, v3  }
0x50: {  	v2 =	vperm.xlane v2, v0;
	_ =	sdelay $0x1  }
0x51: {  	v2 =	vadd.s32 v1, v2;
	_ =	sdelay $0x3  }
0x52: {  	s24 =	simm.s32 $0xA000  }
0x53: {  	[tilespmem:s24], [sflag:$0x3] =	stream.indirect_vreg.gather [hbm4b:s1+s3], $0x80, v2, vm0, $0xb8;
	[tilespmem:$0x1A000] =	vst v63  }
0x54: {  	s11 =	simm.s32 $0xA800  }
0x55: {  	[tilespmem:s11], [sflag:$0x3] =	stream.indirect_vreg.gather [hbm4b:s5+s3], $0x80, v2, vm0, $0xb8;
	[tilespmem:$0x1A000] =	vst v63  }
0x56: {  	s13 =	simm.s32 $0xB000  }
0x57: {  	[tilespmem:s13], [sflag:$0x3] =	stream.indirect_vreg.gather [hbm4b:s6+s3], $0x80, v2, vm0, $0xb8;
	[tilespmem:$0x1A000] =	vst v63  }
0x58: {  	s14 =	simm.s32 $0xB800  }
0x59: {  	[tilespmem:s14], [sflag:$0x3] =	stream.indirect_vreg.gather [hbm4b:s7+s3], $0x80, v2, vm0, $0xb8;
	[tilespmem:$0x1A000] =	vst v63  }
0x5a: {  	s23 =	simm.s32 $0xC000  }
0x5b: {  	[tilespmem:s23], [sflag:$0x3] =	stream.indirect_vreg.gather [hbm4b:s8+s3], $0x80, v2, vm0, $0xb8;
	[tilespmem:$0x1A000] =	vst v63  }
0x5c: {  	s11 =	simm.s32 $0xC800  }
0x5d: {  	[tilespmem:s11], [sflag:$0x3] =	stream.indirect_vreg.gather [hbm4b:s9+s3], $0x80, v2, vm0, $0xb8;
	[tilespmem:$0x1A000] =	vst v63  }
0x5e: {  	s13 =	simm.s32 $0xD000  }
0x5f: {  	[tilespmem:s13], [sflag:$0x3] =	stream.indirect_vreg.gather [hbm4b:s10+s3], $0x80, v2, vm0, $0xb8;
	[tilespmem:$0x1A000] =	vst v63  }
0x60: {  	s14 =	simm.s32 $0xD800  }
0x61: {  	[tilespmem:s14], [sflag:$0x3] =	stream.indirect_vreg.gather [hbm4b:s12+s3], $0x80, v2, vm0, $0xb8;
	[tilespmem:$0x1A000] =	vst v63  }
0x62: {  	_ =	swait.ge [sflag:s26], $0x4000  }
0x63: {  	[sflag:s26] =	ssyncset.done $0x0  }
0x64: {  	s23 =	stileid.u32;
	s11 =	rddreg [dreg:$0x7];
	[sflag:s26] =	ssyncadd.s32 $0xFFFFC000  }
0x65: {  	[spmem:s11] =	stream.linear.scatter [tilespmem:s22], [sflag:$0x4], $0x4000, $0x38;
	[tilespmem:$0x1A000] =	vst v63  }
0x66: {  	s14 =	sshll.u32 s23, $0x6;
	_ =	swait.ge [sflag:s19], $0x4000  }
0x67: {  	s13 =	sor.u32 $0x1C07, s14;
	[sflag:s19] =	ssyncset.done $0x0  }
0x68: {  	s23 =	sshrl.u32 s11, $0x3;
	s11 =	rddreg [dreg:$0x8];
	[sflag:s19] =	ssyncadd.s32 $0xFFFFC000  }
0x69: {  	[hbm:s11], [sflag:s13] =	dma.local [spmem:s23], $0x800  }
0x6a: {  	v2 =	vld.msk [tilespmem:$0x180], $0xff;
	_ =	sdelay $0x4  }
0x6b: {  	v3 =	vshll.u32 v2, $0x4  }
0x6c: {  	v2 =	vand.u32 $0x7, v2;
	v3 =	vand.u32 $0xFFFFFF80, v3  }
0x6d: {  	v2 =	vor.u32 v2, v3  }
0x6e: {  	v2 =	vperm.xlane v2, v0;
	_ =	sdelay $0x1  }
0x6f: {  	v2 =	vadd.s32 v1, v2;
	_ =	sdelay $0x4  }
0x70: {  	[tilespmem:s22], [sflag:$0x1] =	stream.indirect_vreg.gather [hbm4b:s1+s3], $0x80, v2, vm0, $0xb8;
	[tilespmem:$0x1A000] =	vst v63  }
0x71: {  	_ = 	snop  }
0x72: {  	[tilespmem:s15], [sflag:$0x1] =	stream.indirect_vreg.gather [hbm4b:s5+s3], $0x80, v2, vm0, $0xb8;
	[tilespmem:$0x1A000] =	vst v63  }
0x73: {  	_ = 	snop  }
0x74: {  	[tilespmem:s16], [sflag:$0x1] =	stream.indirect_vreg.gather [hbm4b:s6+s3], $0x80, v2, vm0, $0xb8;
	[tilespmem:$0x1A000] =	vst v63  }
0x75: {  	_ = 	snop  }
0x76: {  	[tilespmem:s17], [sflag:$0x1] =	stream.indirect_vreg.gather [hbm4b:s7+s3], $0x80, v2, vm0, $0xb8;
	[tilespmem:$0x1A000] =	vst v63  }
0x77: {  	_ = 	snop  }
0x78: {  	[tilespmem:s18], [sflag:$0x1] =	stream.indirect_vreg.gather [hbm4b:s8+s3], $0x80, v2, vm0, $0xb8;
	[tilespmem:$0x1A000] =	vst v63  }
0x79: {  	_ = 	snop  }
0x7a: {  	[tilespmem:s25], [sflag:$0x1] =	stream.indirect_vreg.gather [hbm4b:s9+s3], $0x80, v2, vm0, $0xb8;
	[tilespmem:$0x1A000] =	vst v63  }
0x7b: {  	s15 =	simm.s32 $0x5000  }
0x7c: {  	[tilespmem:s15], [sflag:$0x1] =	stream.indirect_vreg.gather [hbm4b:s10+s3], $0x80, v2, vm0, $0xb8;
	[tilespmem:$0x1A000] =	vst v63  }
0x7d: {  	s16 =	simm.s32 $0x5800  }
0x7e: {  	[tilespmem:s16], [sflag:$0x1] =	stream.indirect_vreg.gather [hbm4b:s12+s3], $0x80, v2, vm0, $0xb8;
	[tilespmem:$0x1A000] =	vst v63  }
0x7f: {  	_ =	swait.ge [sflag:s28], $0x4000  }
0x80: {  	[sflag:s28] =	ssyncset.done $0x0  }
0x81: {  	s17 =	rddreg [dreg:$0x9];
	[sflag:s28] =	ssyncadd.s32 $0xFFFFC000  }
0x82: {  	[spmem:s17] =	stream.linear.scatter [tilespmem:s0], [sflag:$0x5], $0x4000, $0x38;
	[tilespmem:$0x1A000] =	vst v63  }
0x83: {  	_ =	swait.ge [sflag:s29], $0x4000  }
0x84: {  	s4 =	sor.u32 $0x1C08, s14;
	[sflag:s29] =	ssyncset.done $0x0  }
0x85: {  	s15 =	sshrl.u32 s17, $0x3;
	s18 =	rddreg [dreg:$0xa];
	[sflag:s29] =	ssyncadd.s32 $0xFFFFC000  }
0x86: {  	[hbm:s18], [sflag:s4] =	dma.local [spmem:s15], $0x800  }
0x87: {  	v2 =	vld.msk [tilespmem:$0x200], $0xff;
	_ =	sdelay $0x4  }
0x88: {  	v3 =	vshll.u32 v2, $0x4  }
0x89: {  	v2 =	vand.u32 $0x7, v2;
	v3 =	vand.u32 $0xFFFFFF80, v3  }
0x8a: {  	v2 =	vor.u32 v2, v3  }
0x8b: {  	v2 =	vperm.xlane v2, v0;
	_ =	sdelay $0x1  }
0x8c: {  	v2 =	vadd.s32 v1, v2;
	_ =	sdelay $0x4  }
0x8d: {  	[tilespmem:s0], [sflag:$0x2] =	stream.indirect_vreg.gather [hbm4b:s1+s3], $0x80, v2, vm0, $0xb8;
	[tilespmem:$0x1A000] =	vst v63  }
0x8e: {  	s22 =	simm.s32 $0x6800  }
0x8f: {  	[tilespmem:s22], [sflag:$0x2] =	stream.indirect_vreg.gather [hbm4b:s5+s3], $0x80, v2, vm0, $0xb8;
	[tilespmem:$0x1A000] =	vst v63  }
0x90: {  	s25 =	simm.s32 $0x7000  }
0x91: {  	[tilespmem:s25], [sflag:$0x2] =	stream.indirect_vreg.gather [hbm4b:s6+s3], $0x80, v2, vm0, $0xb8;
	[tilespmem:$0x1A000] =	vst v63  }
0x92: {  	s11 =	simm.s32 $0x7800  }
0x93: {  	[tilespmem:s11], [sflag:$0x2] =	stream.indirect_vreg.gather [hbm4b:s7+s3], $0x80, v2, vm0, $0xb8;
	[tilespmem:$0x1A000] =	vst v63  }
0x94: {  	s16 =	simm.s32 $0x8000  }
0x95: {  	[tilespmem:s16], [sflag:$0x2] =	stream.indirect_vreg.gather [hbm4b:s8+s3], $0x80, v2, vm0, $0xb8;
	[tilespmem:$0x1A000] =	vst v63  }
0x96: {  	s17 =	simm.s32 $0x8800  }
0x97: {  	[tilespmem:s17], [sflag:$0x2] =	stream.indirect_vreg.gather [hbm4b:s9+s3], $0x80, v2, vm0, $0xb8;
	[tilespmem:$0x1A000] =	vst v63  }
0x98: {  	s18 =	simm.s32 $0x9000  }
0x99: {  	[tilespmem:s18], [sflag:$0x2] =	stream.indirect_vreg.gather [hbm4b:s10+s3], $0x80, v2, vm0, $0xb8;
	[tilespmem:$0x1A000] =	vst v63  }
0x9a: {  	s22 =	simm.s32 $0x9800  }
0x9b: {  	[tilespmem:s22], [sflag:$0x2] =	stream.indirect_vreg.gather [hbm4b:s12+s3], $0x80, v2, vm0, $0xb8;
	[tilespmem:$0x1A000] =	vst v63  }
0x9c: {  	_ =	swait.ge [sflag:s20], $0x4000  }
0x9d: {  	[sflag:s20] =	ssyncset.done $0x0  }
0x9e: {  	s25 =	rddreg [dreg:$0xb];
	[sflag:s20] =	ssyncadd.s32 $0xFFFFC000  }
0x9f: {  	[spmem:s25] =	stream.linear.scatter [tilespmem:s24], [sflag:$0x6], $0x4000, $0x38;
	[tilespmem:$0x1A000] =	vst v63  }
0xa0: {  	_ =	swait.ge [sflag:s30], $0x4000  }
0xa1: {  	s17 =	sor.u32 $0x1C09, s14;
	[sflag:s30] =	ssyncset.done $0x0  }
0xa2: {  	s25 =	sshrl.u32 s25, $0x3;
	s0 =	rddreg [dreg:$0xc];
	[sflag:s30] =	ssyncadd.s32 $0xFFFFC000  }
0xa3: {  	[hbm:s0], [sflag:s17] =	dma.local [spmem:s25], $0x800  }
0xa4: {  	v2 =	vld.msk [tilespmem:$0x280], $0xff;
	_ =	sdelay $0x4  }
0xa5: {  	v3 =	vshll.u32 v2, $0x4  }
0xa6: {  	v2 =	vand.u32 $0x7, v2;
	v3 =	vand.u32 $0xFFFFFF80, v3  }
0xa7: {  	v2 =	vor.u32 v2, v3  }
0xa8: {  	v2 =	vperm.xlane v2, v0;
	_ =	sdelay $0x1  }
0xa9: {  	v2 =	vadd.s32 v1, v2;
	_ =	sdelay $0x4  }
0xaa: {  	[tilespmem:s24], [sflag:$0x3] =	stream.indirect_vreg.gather [hbm4b:s1+s3], $0x80, v2, vm0, $0xb8;
	[tilespmem:$0x1A000] =	vst v63  }
0xab: {  	s1 =	simm.s32 $0xA800  }
0xac: {  	[tilespmem:s1], [sflag:$0x3] =	stream.indirect_vreg.gather [hbm4b:s5+s3], $0x80, v2, vm0, $0xb8;
	[tilespmem:$0x1A000] =	vst v63  }
0xad: {  	s11 =	simm.s32 $0xB000  }
0xae: {  	[tilespmem:s11], [sflag:$0x3] =	stream.indirect_vreg.gather [hbm4b:s6+s3], $0x80, v2, vm0, $0xb8;
	[tilespmem:$0x1A000] =	vst v63  }
0xaf: {  	s14 =	simm.s32 $0xB800  }
0xb0: {  	[tilespmem:s14], [sflag:$0x3] =	stream.indirect_vreg.gather [hbm4b:s7+s3], $0x80, v2, vm0, $0xb8;
	[tilespmem:$0x1A000] =	vst v63  }
0xb1: {  	s16 =	simm.s32 $0xC000  }
0xb2: {  	[tilespmem:s16], [sflag:$0x3] =	stream.indirect_vreg.gather [hbm4b:s8+s3], $0x80, v2, vm0, $0xb8;
	[tilespmem:$0x1A000] =	vst v63  }
0xb3: {  	s18 =	simm.s32 $0xC800  }
0xb4: {  	[tilespmem:s18], [sflag:$0x3] =	stream.indirect_vreg.gather [hbm4b:s9+s3], $0x80, v2, vm0, $0xb8;
	[tilespmem:$0x1A000] =	vst v63  }
0xb5: {  	s22 =	simm.s32 $0xD000;
	s24 =	simm.s32 $0xD800  }
0xb6: {  	[tilespmem:s22], [sflag:$0x3] =	stream.indirect_vreg.gather [hbm4b:s10+s3], $0x80, v2, vm0, $0xb8;
	[tilespmem:$0x1A000] =	vst v63  }
0xb7: {  	s1 =	simm.s32 $0xD800;
	s14 =	simm.s32 $0x0;
	s18 =	simm.s32 $0x400  }
0xb8: {  	[tilespmem:s24], [sflag:$0x3] =	stream.indirect_vreg.gather [hbm4b:s12+s3], $0x80, v2, vm0, $0xb8;
	[tilespmem:$0x1A000] =	vst v63  }
.LBB2_2:
0xb9: {  	_ =	swait.ge [sflag:s21], $0x800  }
0xba: {  	[sflag:s21] =	ssyncset.done $0x0  }
0xbb: {  	[sflag:s21] =	ssyncadd.s32 $0xFFFFF800  }
0xbc: {  	_ =	swait.ge [sflag:s26], $0x4000  }
0xbd: {  	[sflag:s26] =	ssyncset.done $0x0  }
0xbe: {  	s22 =	simm.s32 $0x2000;
	s11 =	rddreg [dreg:$0x7];
	[sflag:s26] =	ssyncadd.s32 $0xFFFFC000  }
0xbf: {  	[spmem:s11] =	stream.linear.scatter [tilespmem:s22], [sflag:$0x4], $0x4000, $0x38;
	[tilespmem:$0x1A000] =	vst v63  }
0xc0: {  	_ =	swait.ge [sflag:s19], $0x4000  }
0xc1: {  	s16 =	rddreg [dreg:$0x5]  }
0xc2: {  	[sflag:s19] =	ssyncset.done $0x0;
	s16 =	sadd.s32 s14, s16  }
0xc3: {  	[sflag:s19] =	ssyncadd.s32 $0xFFFFC000;
	s0 =	sadd.s32 $0x1800, s16  }
0xc4: {  	[hbm:s0], [sflag:s13] =	dma.local [spmem:s23], $0x800  }
0xc5: {  	v2 =	vld.msk [tilespmem:s18+$0xFFFFFF00], $0xff;
	_ =	sdelay $0x4  }
0xc6: {  	v3 =	vshll.u32 v2, $0x4  }
0xc7: {  	v2 =	vand.u32 $0x7, v2;
	v3 =	vand.u32 $0xFFFFFF80, v3  }
0xc8: {  	v2 =	vor.u32 v2, v3  }
0xc9: {  	v2 =	vperm.xlane v2, v0;
	_ =	sdelay $0x1  }
0xca: {  	v2 =	vadd.s32 v1, v2;
	_ =	sdelay $0x3  }
0xcb: {  	s0 =	rddreg [dreg:$0x0]  }
0xcc: {  	[tilespmem:s22], [sflag:$0x1] =	stream.indirect_vreg.gather [hbm4b:s0+s3], $0x80, v2, vm0, $0xb8;
	[tilespmem:$0x1A000] =	vst v63  }
0xcd: {  	s22 =	simm.s32 $0x2800  }
0xce: {  	[tilespmem:s22], [sflag:$0x1] =	stream.indirect_vreg.gather [hbm4b:s5+s3], $0x80, v2, vm0, $0xb8;
	[tilespmem:$0x1A000] =	vst v63  }
0xcf: {  	s24 =	simm.s32 $0x3000  }
0xd0: {  	[tilespmem:s24], [sflag:$0x1] =	stream.indirect_vreg.gather [hbm4b:s6+s3], $0x80, v2, vm0, $0xb8;
	[tilespmem:$0x1A000] =	vst v63  }
0xd1: {  	s22 =	simm.s32 $0x3800  }
0xd2: {  	[tilespmem:s22], [sflag:$0x1] =	stream.indirect_vreg.gather [hbm4b:s7+s3], $0x80, v2, vm0, $0xb8;
	[tilespmem:$0x1A000] =	vst v63  }
0xd3: {  	s24 =	simm.s32 $0x4000  }
0xd4: {  	[tilespmem:s24], [sflag:$0x1] =	stream.indirect_vreg.gather [hbm4b:s8+s3], $0x80, v2, vm0, $0xb8;
	[tilespmem:$0x1A000] =	vst v63  }
0xd5: {  	s22 =	simm.s32 $0x4800  }
0xd6: {  	[tilespmem:s22], [sflag:$0x1] =	stream.indirect_vreg.gather [hbm4b:s9+s3], $0x80, v2, vm0, $0xb8;
	[tilespmem:$0x1A000] =	vst v63  }
0xd7: {  	s24 =	simm.s32 $0x5000  }
0xd8: {  	[tilespmem:s24], [sflag:$0x1] =	stream.indirect_vreg.gather [hbm4b:s10+s3], $0x80, v2, vm0, $0xb8;
	[tilespmem:$0x1A000] =	vst v63  }
0xd9: {  	s22 =	simm.s32 $0x5800  }
0xda: {  	[tilespmem:s22], [sflag:$0x1] =	stream.indirect_vreg.gather [hbm4b:s12+s3], $0x80, v2, vm0, $0xb8;
	[tilespmem:$0x1A000] =	vst v63  }
0xdb: {  	_ =	swait.ge [sflag:s31], $0x800  }
0xdc: {  	[sflag:s31] =	ssyncset.done $0x0  }
0xdd: {  	[sflag:s31] =	ssyncadd.s32 $0xFFFFF800  }
0xde: {  	_ =	swait.ge [sflag:s28], $0x4000  }
0xdf: {  	[sflag:s28] =	ssyncset.done $0x0  }
0xe0: {  	s22 =	simm.s32 $0x6000;
	s24 =	rddreg [dreg:$0x9];
	[sflag:s28] =	ssyncadd.s32 $0xFFFFC000  }
0xe1: {  	[spmem:s24] =	stream.linear.scatter [tilespmem:s22], [sflag:$0x5], $0x4000, $0x38;
	[tilespmem:$0x1A000] =	vst v63  }
0xe2: {  	_ =	swait.ge [sflag:s29], $0x4000  }
0xe3: {  	[sflag:s29] =	ssyncset.done $0x0  }
0xe4: {  	s24 =	sadd.s32 $0x2000, s16;
	[sflag:s29] =	ssyncadd.s32 $0xFFFFC000  }
0xe5: {  	[hbm:s24], [sflag:s4] =	dma.local [spmem:s15], $0x800  }
0xe6: {  	v2 =	vld.msk [tilespmem:s18+$0xFFFFFF80], $0xff;
	_ =	sdelay $0x4  }
0xe7: {  	v3 =	vshll.u32 v2, $0x4  }
0xe8: {  	v2 =	vand.u32 $0x7, v2;
	v3 =	vand.u32 $0xFFFFFF80, v3  }
0xe9: {  	v2 =	vor.u32 v2, v3  }
0xea: {  	v2 =	vperm.xlane v2, v0;
	_ =	sdelay $0x1  }
0xeb: {  	v2 =	vadd.s32 v1, v2;
	_ =	sdelay $0x4  }
0xec: {  	[tilespmem:s22], [sflag:$0x2] =	stream.indirect_vreg.gather [hbm4b:s0+s3], $0x80, v2, vm0, $0xb8;
	[tilespmem:$0x1A000] =	vst v63  }
0xed: {  	s22 =	simm.s32 $0x6800  }
0xee: {  	[tilespmem:s22], [sflag:$0x2] =	stream.indirect_vreg.gather [hbm4b:s5+s3], $0x80, v2, vm0, $0xb8;
	[tilespmem:$0x1A000] =	vst v63  }
0xef: {  	s22 =	simm.s32 $0x7000  }
0xf0: {  	[tilespmem:s22], [sflag:$0x2] =	stream.indirect_vreg.gather [hbm4b:s6+s3], $0x80, v2, vm0, $0xb8;
	[tilespmem:$0x1A000] =	vst v63  }
0xf1: {  	s22 =	simm.s32 $0x7800  }
0xf2: {  	[tilespmem:s22], [sflag:$0x2] =	stream.indirect_vreg.gather [hbm4b:s7+s3], $0x80, v2, vm0, $0xb8;
	[tilespmem:$0x1A000] =	vst v63  }
0xf3: {  	s22 =	simm.s32 $0x8000  }
0xf4: {  	[tilespmem:s22], [sflag:$0x2] =	stream.indirect_vreg.gather [hbm4b:s8+s3], $0x80, v2, vm0, $0xb8;
	[tilespmem:$0x1A000] =	vst v63  }
0xf5: {  	s22 =	simm.s32 $0x8800  }
0xf6: {  	[tilespmem:s22], [sflag:$0x2] =	stream.indirect_vreg.gather [hbm4b:s9+s3], $0x80, v2, vm0, $0xb8;
	[tilespmem:$0x1A000] =	vst v63  }
0xf7: {  	s22 =	simm.s32 $0x9000  }
0xf8: {  	[tilespmem:s22], [sflag:$0x2] =	stream.indirect_vreg.gather [hbm4b:s10+s3], $0x80, v2, vm0, $0xb8;
	[tilespmem:$0x1A000] =	vst v63  }
0xf9: {  	s22 =	simm.s32 $0x9800  }
0xfa: {  	[tilespmem:s22], [sflag:$0x2] =	stream.indirect_vreg.gather [hbm4b:s12+s3], $0x80, v2, vm0, $0xb8;
	[tilespmem:$0x1A000] =	vst v63  }
0xfb: {  	_ =	swait.ge [sflag:s2], $0x800  }
0xfc: {  	[sflag:s2] =	ssyncset.done $0x0  }
0xfd: {  	[sflag:s2] =	ssyncadd.s32 $0xFFFFF800  }
0xfe: {  	_ =	swait.ge [sflag:s20], $0x4000  }
0xff: {  	[sflag:s20] =	ssyncset.done $0x0  }
0x100: {  	s22 =	simm.s32 $0xA000;
	s11 =	rddreg [dreg:$0xb];
	[sflag:s20] =	ssyncadd.s32 $0xFFFFC000  }
0x101: {  	[spmem:s11] =	stream.linear.scatter [tilespmem:s22], [sflag:$0x6], $0x4000, $0x38;
	[tilespmem:$0x1A000] =	vst v63  }
0x102: {  	_ =	swait.ge [sflag:s30], $0x4000  }
0x103: {  	[sflag:s30] =	ssyncset.done $0x0  }
0x104: {  	s16 =	sadd.s32 $0x2800, s16;
	[sflag:s30] =	ssyncadd.s32 $0xFFFFC000  }
0x105: {  	[hbm:s16], [sflag:s17] =	dma.local [spmem:s25], $0x800  }
0x106: {  	v2 =	vld.msk [tilespmem:s18+$0x0], $0xff;
	_ =	sdelay $0x4  }
0x107: {  	v3 =	vshll.u32 v2, $0x4  }
0x108: {  	v2 =	vand.u32 $0x7, v2;
	v3 =	vand.u32 $0xFFFFFF80, v3  }
0x109: {  	v2 =	vor.u32 v2, v3  }
0x10a: {  	v2 =	vperm.xlane v2, v0;
	_ =	sdelay $0x1  }
0x10b: {  	v2 =	vadd.s32 v1, v2;
	_ =	sdelay $0x4  }
0x10c: {  	[tilespmem:s22], [sflag:$0x3] =	stream.indirect_vreg.gather [hbm4b:s0+s3], $0x80, v2, vm0, $0xb8;
	[tilespmem:$0x1A000] =	vst v63  }
0x10d: {  	s11 =	simm.s32 $0xA800  }
0x10e: {  	[tilespmem:s11], [sflag:$0x3] =	stream.indirect_vreg.gather [hbm4b:s5+s3], $0x80, v2, vm0, $0xb8;
	[tilespmem:$0x1A000] =	vst v63  }
0x10f: {  	s22 =	simm.s32 $0xB000  }
0x110: {  	[tilespmem:s22], [sflag:$0x3] =	stream.indirect_vreg.gather [hbm4b:s6+s3], $0x80, v2, vm0, $0xb8;
	[tilespmem:$0x1A000] =	vst v63  }
0x111: {  	s11 =	simm.s32 $0xB800  }
0x112: {  	[tilespmem:s11], [sflag:$0x3] =	stream.indirect_vreg.gather [hbm4b:s7+s3], $0x80, v2, vm0, $0xb8;
	[tilespmem:$0x1A000] =	vst v63  }
0x113: {  	s22 =	simm.s32 $0xC000  }
0x114: {  	[tilespmem:s22], [sflag:$0x3] =	stream.indirect_vreg.gather [hbm4b:s8+s3], $0x80, v2, vm0, $0xb8;
	[tilespmem:$0x1A000] =	vst v63  }
0x115: {  	p0 =	sne.s32 s14, $0x1B000;
	s11 =	simm.s32 $0xC800  }
0x116: {  	[tilespmem:s11], [sflag:$0x3] =	stream.indirect_vreg.gather [hbm4b:s9+s3], $0x80, v2, vm0, $0xb8;
	[tilespmem:$0x1A000] =	vst v63  }
.Ltmp0:
0x117: {  	_ = 	snop;
	(pc) =	sbr.rel @p0 .LBB2_2-.Ltmp0, $4  }
0x118: {  	s14 =	sadd.s32 $0x1800, s14;
	s22 =	simm.s32 $0xD000  }
0x119: {  	[tilespmem:s22], [sflag:$0x3] =	stream.indirect_vreg.gather [hbm4b:s10+s3], $0x80, v2, vm0, $0xb8;
	[tilespmem:$0x1A000] =	vst v63  }
0x11a: {  	s24 =	simm.s32 $0x6000;
	s16 =	simm.s32 $0xA000;
	s18 =	sadd.s32 $0x180, s18  }
0x11b: {  	[tilespmem:s1], [sflag:$0x3] =	stream.indirect_vreg.gather [hbm4b:s12+s3], $0x80, v2, vm0, $0xb8;
	[tilespmem:$0x1A000] =	vst v63  }
0x11c: {  	_ =	swait.ge [sflag:s21], $0x800  }
0x11d: {  	[sflag:s21] =	ssyncset.done $0x0  }
0x11e: {  	[sflag:s21] =	ssyncadd.s32 $0xFFFFF800  }
0x11f: {  	_ =	swait.ge [sflag:s26], $0x4000  }
0x120: {  	[sflag:s26] =	ssyncset.done $0x0  }
0x121: {  	s0 =	simm.s32 $0x2000;
	s11 =	rddreg [dreg:$0x7];
	[sflag:s26] =	ssyncadd.s32 $0xFFFFC000  }
0x122: {  	[spmem:s11] =	stream.linear.scatter [tilespmem:s0], [sflag:$0x4], $0x4000, $0x38;
	[tilespmem:$0x1A000] =	vst v63  }
0x123: {  	_ =	swait.ge [sflag:s19], $0x4000  }
0x124: {  	[sflag:s19] =	ssyncset.done $0x0  }
0x125: {  	s14 =	rddreg [dreg:$0xd];
	[sflag:s19] =	ssyncadd.s32 $0xFFFFC000  }
0x126: {  	[hbm:s14], [sflag:s13] =	dma.local [spmem:s23], $0x800  }
0x127: {  	v2 =	vld.msk [tilespmem:$0x1F80], $0xff;
	_ =	sdelay $0x4  }
0x128: {  	v3 =	vshll.u32 v2, $0x4  }
0x129: {  	v2 =	vand.u32 $0x7, v2;
	v3 =	vand.u32 $0xFFFFFF80, v3  }
0x12a: {  	v2 =	vor.u32 v2, v3  }
0x12b: {  	v2 =	vperm.xlane v2, v0;
	_ =	sdelay $0x1  }
0x12c: {  	v2 =	vadd.s32 v1, v2;
	_ =	sdelay $0x3  }
0x12d: {  	s1 =	rddreg [dreg:$0x0]  }
0x12e: {  	[tilespmem:s0], [sflag:$0x1] =	stream.indirect_vreg.gather [hbm4b:s1+s3], $0x80, v2, vm0, $0xb8;
	[tilespmem:$0x1A000] =	vst v63  }
0x12f: {  	s18 =	simm.s32 $0x2800  }
0x130: {  	[tilespmem:s18], [sflag:$0x1] =	stream.indirect_vreg.gather [hbm4b:s5+s3], $0x80, v2, vm0, $0xb8;
	[tilespmem:$0x1A000] =	vst v63  }
0x131: {  	s22 =	simm.s32 $0x3000  }
0x132: {  	[tilespmem:s22], [sflag:$0x1] =	stream.indirect_vreg.gather [hbm4b:s6+s3], $0x80, v2, vm0, $0xb8;
	[tilespmem:$0x1A000] =	vst v63  }
0x133: {  	s1 =	simm.s32 $0x3800  }
0x134: {  	[tilespmem:s1], [sflag:$0x1] =	stream.indirect_vreg.gather [hbm4b:s7+s3], $0x80, v2, vm0, $0xb8;
	[tilespmem:$0x1A000] =	vst v63  }
0x135: {  	s18 =	simm.s32 $0x4000  }
0x136: {  	[tilespmem:s18], [sflag:$0x1] =	stream.indirect_vreg.gather [hbm4b:s8+s3], $0x80, v2, vm0, $0xb8;
	[tilespmem:$0x1A000] =	vst v63  }
0x137: {  	s22 =	simm.s32 $0x4800  }
0x138: {  	[tilespmem:s22], [sflag:$0x1] =	stream.indirect_vreg.gather [hbm4b:s9+s3], $0x80, v2, vm0, $0xb8;
	[tilespmem:$0x1A000] =	vst v63  }
0x139: {  	s1 =	simm.s32 $0x5000  }
0x13a: {  	[tilespmem:s1], [sflag:$0x1] =	stream.indirect_vreg.gather [hbm4b:s10+s3], $0x80, v2, vm0, $0xb8;
	[tilespmem:$0x1A000] =	vst v63  }
0x13b: {  	s18 =	simm.s32 $0x5800  }
0x13c: {  	[tilespmem:s18], [sflag:$0x1] =	stream.indirect_vreg.gather [hbm4b:s12+s3], $0x80, v2, vm0, $0xb8;
	[tilespmem:$0x1A000] =	vst v63  }
0x13d: {  	_ =	swait.ge [sflag:s31], $0x800  }
0x13e: {  	[sflag:s31] =	ssyncset.done $0x0  }
0x13f: {  	[sflag:s31] =	ssyncadd.s32 $0xFFFFF800  }
0x140: {  	_ =	swait.ge [sflag:s28], $0x4000  }
0x141: {  	[sflag:s28] =	ssyncset.done $0x0  }
0x142: {  	s22 =	rddreg [dreg:$0x9];
	[sflag:s28] =	ssyncadd.s32 $0xFFFFC000  }
0x143: {  	[spmem:s22] =	stream.linear.scatter [tilespmem:s24], [sflag:$0x5], $0x4000, $0x38;
	[tilespmem:$0x1A000] =	vst v63  }
0x144: {  	_ =	swait.ge [sflag:s29], $0x4000  }
0x145: {  	[sflag:s29] =	ssyncset.done $0x0  }
0x146: {  	s1 =	rddreg [dreg:$0xe];
	[sflag:s29] =	ssyncadd.s32 $0xFFFFC000  }
0x147: {  	[hbm:s1], [sflag:s4] =	dma.local [spmem:s15], $0x800  }
0x148: {  	_ =	swait.ge [sflag:s2], $0x800  }
0x149: {  	[sflag:s2] =	ssyncset.done $0x0  }
0x14a: {  	[sflag:s2] =	ssyncadd.s32 $0xFFFFF800  }
0x14b: {  	_ =	swait.ge [sflag:s20], $0x4000  }
0x14c: {  	[sflag:s20] =	ssyncset.done $0x0  }
0x14d: {  	s15 =	rddreg [dreg:$0xb];
	[sflag:s20] =	ssyncadd.s32 $0xFFFFC000  }
0x14e: {  	[spmem:s15] =	stream.linear.scatter [tilespmem:s16], [sflag:$0x6], $0x4000, $0x38;
	[tilespmem:$0x1A000] =	vst v63  }
0x14f: {  	_ =	swait.ge [sflag:s30], $0x4000  }
0x150: {  	[sflag:s30] =	ssyncset.done $0x0  }
0x151: {  	s18 =	rddreg [dreg:$0xf];
	[sflag:s30] =	ssyncadd.s32 $0xFFFFC000  }
0x152: {  	[hbm:s18], [sflag:s17] =	dma.local [spmem:s25], $0x800  }
0x153: {  	_ =	swait.ge [sflag:s21], $0x800  }
0x154: {  	[sflag:s21] =	ssyncset.done $0x0  }
0x155: {  	[sflag:s21] =	ssyncadd.s32 $0xFFFFF800  }
0x156: {  	_ =	swait.ge [sflag:s26], $0x4000  }
0x157: {  	[sflag:s26] =	ssyncset.done $0x0  }
0x158: {  	[sflag:s26] =	ssyncadd.s32 $0xFFFFC000  }
0x159: {  	[spmem:s11] =	stream.linear.scatter [tilespmem:s0], [sflag:$0x4], $0x4000, $0x38;
	[tilespmem:$0x1A000] =	vst v63  }
0x15a: {  	_ =	swait.ge [sflag:s19], $0x4000  }
0x15b: {  	[sflag:s19] =	ssyncset.done $0x0  }
0x15c: {  	s22 =	rddreg [dreg:$0x10];
	[sflag:s19] =	ssyncadd.s32 $0xFFFFC000  }
0x15d: {  	[hbm:s22], [sflag:s13] =	dma.local [spmem:s23], $0x800  }
0x15e: {  	_ =	swait.ge [sflag:s31], $0x800  }
0x15f: {  	[sflag:s31] =	ssyncset.done $0x0  }
0x160: {  	[sflag:s31] =	ssyncadd.s32 $0xFFFFF800  }
0x161: {  	_ =	swait.ge [sflag:s2], $0x800  }
0x162: {  	[sflag:s2] =	ssyncset.done $0x0  }
0x163: {  	[sflag:s2] =	ssyncadd.s32 $0xFFFFF800  }
0x164: {  	_ =	swait.ge [sflag:s21], $0x800  }
0x165: {  	s24 =	rddreg [dreg:$0x12]  }
0x166: {  	s25 =	rddreg [dreg:$0x11];
	s15 =	sadd.s32 $0x1, s24  }
0x167: {  	p0 =	sne.s32 s15, s25  }
.Ltmp1:
0x168: {  	_ = 	snop;
	(pc) =	sbr.rel @p0 .LBB2_1-.Ltmp1, $3  }
0x169: {  	_ =	sdelay $0x1  }
0x16a: {  	s14 =	simm.s32 $0x7800;
	s11 =	simm.s32 $0x6800;
	[sflag:s21] =	ssyncset.done $0x0  }
0x16b: {  	s13 =	simm.s32 $0x7000;
	s23 =	simm.s32 $0x8000;
	[sflag:s21] =	ssyncadd.s32 $0xFFFFF800  }
0x16c: {  	_ =	sfence.sel $0x180000  }
0x16d: {  	[bflag:$0x0] =	sbarrier.arrive $0xFFFF  }
0x16e: {  	_ =	strace $0x90000047  }
0x16f: {  	s0 =	stileid.u32;
	[bflag:$0x2] =	sbarrier.arrive $0xFFFF  }
0x170: {  	p0 =	sne.s32 s0, $0x0;
	s0 =	rddreg [dreg:$0x4]  }
0x171: {  	s0 =	sadd.s32 @!p0 $0x100000, s0  }
0x172: {  	[sflag:s0] =	ssyncadd.tile.s32 @!p0 $0x1;
	_ =	shalt  }
.Lfunc_end2:
_tile_overlayer_lowered:
.L_overlay_start_2:
0x173: {  	(tag) =	ssettag $0x2  }
0x174: {  	s0 =	rddreg [dreg:$0x0];
	s2 =	stileid.u32  }
0x175: {  	s1 =	rddreg [dreg:$0x1];
	p0 =	sne.s32 s2, $0x0  }
0x176: {  	s3 =	rddreg [dreg:$0x2];
	[bflag:$0x3] =	sbarrier.arrive $0xFFFF;
	s2 =	simm.s32 @!p0 $0x1C0A  }
0x177: {  	[timem:s3], [sflag:s2] =	dma.local @!p0 [hbm:s0], s1  }
0x178: {  	s0 =	simm.s32 @!p0 $0xA  }
0x179: {  	_ =	swait.ge @!p0 [sflag:s0], s1  }
0x17a: {  	s1 =	ssub.s32 @!p0 $0x0, s1;
	[sflag:s0] =	ssyncset.done @!p0 $0x0  }
0x17b: {  	[sflag:s0] =	ssyncadd.s32 @!p0 s1  }
0x17c: {  	[bflag:$0x3] =	sbarrier.arrive $0xFFFF  }
0x17d: {  	_ =	shalt  }

</sc_bundles>
